<compile_context>
chip_gen: v7x
topology: tpu7x:2x2x1
jax: 0.10.2.dev20260603
libtpu: 0.0.44.dev20260713+nightly
codegen_flags: <defaults>
</compile_context>

<pallas_src>
import functools

import jax
import jax.numpy as jnp
from jax import lax
from jax.experimental import pallas as pl
from jax.experimental.pallas import tpu as pltpu
from jax.experimental.pallas import tpu_sc as plsc

N_CHARS = 1000
EMB = 32
PAD_IDX = 0
B = 4096
L = 200
BF = B * L

NC = 2
NS = 16
NW = NC * NS
PER_W = BF // NW
CHUNK = 640
NCH = PER_W // CHUNK
NBUF = 4
LEAD = 2

_mesh = plsc.VectorSubcoreMesh(core_axis_name="c", subcore_axis_name="s")


@functools.partial(
    pl.kernel,
    out_type=jax.ShapeDtypeStruct((BF, EMB), jnp.float32),
    mesh=_mesh,
    compiler_params=pltpu.CompilerParams(use_tc_tiling_on_sc=False),
    scratch_types=[
        pltpu.VMEM_SHARED((N_CHARS, EMB), jnp.float32),
        pltpu.VMEM((NCH, CHUNK), jnp.int32),
        pltpu.VMEM((NBUF, CHUNK, EMB), jnp.float32),
        pltpu.SemaphoreType.DMA((NBUF,)),
        pltpu.SemaphoreType.DMA((NBUF,)),
    ],
)
def _gather_kernel(table_hbm, idx_hbm, out_hbm, table_sh, idx_v, rows_v, gsem, ssem):
    sid = lax.axis_index("s")
    wid = sid * NC + lax.axis_index("c")
    base = wid * PER_W

    @pl.when(sid == 0)
    def _stage():
        pltpu.sync_copy(table_hbm, table_sh)

    pltpu.sync_copy(idx_hbm.at[wid], idx_v)
    plsc.subcore_barrier()

    def start_gather(j, b):
        pltpu.async_copy(table_sh.at[idx_v.at[j]], rows_v.at[b], gsem.at[b])

    def wait_gather(b):
        pltpu.make_async_copy(
            table_sh.at[idx_v.at[0]], rows_v.at[b], gsem.at[b]
        ).wait()

    def start_store(j, b):
        pltpu.async_copy(
            rows_v.at[b], out_hbm.at[pl.ds(base + j * CHUNK, CHUNK)], ssem.at[b]
        )

    def wait_store(b):
        pltpu.make_async_copy(
            rows_v.at[b], out_hbm.at[pl.ds(base, CHUNK)], ssem.at[b]
        ).wait()

    for j in range(LEAD):
        start_gather(j, j)
    for j in range(NBUF - LEAD):
        start_gather(j + LEAD, j + LEAD)
        wait_gather(j)
        start_store(j, j)

    def group(g, carry):
        j0 = (NBUF - LEAD) + g * NBUF
        for b2 in range(NBUF):
            jpar = (NBUF - LEAD) + b2
            b = (jpar + LEAD) % NBUF
            j = j0 + b2
            wait_store(b)
            start_gather(j + LEAD, b)
            wait_gather(jpar % NBUF)
            start_store(j, jpar % NBUF)
        return carry

    lax.fori_loop(0, (NCH - NBUF) // NBUF, group, 0)

    for j in range(NCH - LEAD, NCH):
        wait_gather(j % NBUF)
        start_store(j, j % NBUF)
    for b in range(NBUF):
        wait_store(b)


def kernel(sentence, lengths, table):
    del lengths
    tbl = table.at[PAD_IDX].set(0.0)
    idx = sentence.reshape(NW, NCH, CHUNK)
    out = _gather_kernel(tbl, idx)
    return out.reshape(B, L, EMB)

# --- scband reference (transcript-rebuilt; emitter-appended) ---
"""Pipeline reference for scband-char-model-29265907155728 (READ-ONLY COPY).

The authoritative reference and input builder live on the scoring server;
editing this copy changes nothing except your own understanding.
"""

import jax, jax.numpy as jnp
import numpy as np

N_CHARS = 1000
EMB_DIM = 32
PAD_IDX = 0
B = 4096
L = 200


def setup_inputs(seed: int = 0) -> dict:
    key = jax.random.key(seed)
    k1, k2, k3 = jax.random.split(key, 3)
    sentence = jax.random.randint(k1, (B, L), 0, N_CHARS, dtype=jnp.int32)
    lengths = jax.random.randint(k2, (B,), 1, L + 1, dtype=jnp.int32)
    table = jax.random.normal(k3, (N_CHARS, EMB_DIM), dtype=jnp.float32)
    table = table.at[PAD_IDX].set(0.0)  # nn.Embedding padding_idx row initialized to zeros
    return {"sentence": sentence, "lengths": lengths, "table": table}


def reference(sentence, lengths, table):
    # nn.Embedding(n_chars, emb_dim, padding_idx=PAD_IDX) lookup
    tbl = table.at[PAD_IDX].set(0.0)
    embedded = jnp.take(tbl, sentence, axis=0)
    # char_emb_dropout: identity in eval mode
    # NOTE: self.char_model is undefined in this abstract base class; the runnable
    # portion of forward is the embedding lookup + dropout, which is returned here.
    return embedded

if __name__ == "__main__":
    import jax
    _d = setup_inputs()
    print(jax.jit(kernel)(*tuple(_d.values())))

</pallas_src>

<mosaic_0001>
#map = affine_map<(d0, d1) -> (0, 0)>
#map1 = affine_map<(d0, d1) -> (0, 0, 0)>
module attributes {stable_mosaic.version = 14 : i64} {
  func.func @_gather_kernel(%arg0: i32, %arg1: i32, %arg2: memref<1000x32xf32, #tpu.memory_space<hbm>>, %arg3: memref<32x40x640xi32, #tpu.memory_space<hbm>>, %arg4: memref<819200x32xf32, #tpu.memory_space<hbm>>, %arg5: memref<1000x32xf32, #tpu.memory_space<vmem_shared>>, %arg6: memref<40x640xi32, #tpu.memory_space<vmem>>, %arg7: memref<4x640x32xf32, #tpu.memory_space<vmem>>, %arg8: memref<4x!tpu.dma_semaphore, #tpu.memory_space<semaphore_mem>>, %arg9: memref<4x!tpu.dma_semaphore, #tpu.memory_space<semaphore_mem>>) attributes {dimension_semantics = [#tpu.dimension_semantics<core_parallel>, #tpu.dimension_semantics<subcore_parallel>], iteration_bounds = array<i64: 2, 16>, scalar_prefetch = 0 : i64, scratch_operands = 5 : i64, tpu.core_type = #tpu.core_type<sc_vector_subcore>, window_params = [{transform_indices = #map}, {transform_indices = #map1}, {transform_indices = #map}]} {
    %mul3A = arith.constant 2 : i32
    %mul3A_0 = arith.muli %arg1, %mul3A : i32
    %add3A = arith.addi %mul3A_0, %arg0 : i32
    %mul3A_1 = arith.constant 25600 : i32
    %mul3A_2 = arith.muli %add3A, %mul3A_1 : i32
    %eq3A = arith.constant 0 : i32
    %eq3A_3 = arith.cmpi eq, %arg1, %eq3A : i32
    %convert_element_type3A = arith.extui %eq3A_3 : i1 to i32
    %cond3A = arith.constant 0 : i32
    %cond3A_4 = arith.cmpi ne, %convert_element_type3A, %cond3A : i32
    scf.if %cond3A_4 {
      "tpu.region"() ({
        %run_scoped3A = tpu.sem_alloc : memref<!tpu.dma_semaphore, #tpu.memory_space<semaphore_mem>>
        tpu.enqueue_dma source(%arg2 : memref<1000x32xf32, #tpu.memory_space<hbm>>) target(%arg5 : memref<1000x32xf32, #tpu.memory_space<vmem_shared>>) target_semaphore(%run_scoped3A : memref<!tpu.dma_semaphore, #tpu.memory_space<semaphore_mem>>)
        tpu.wait_dma2 semaphore(%run_scoped3A : memref<!tpu.dma_semaphore, #tpu.memory_space<semaphore_mem>>) src(%arg2 : memref<1000x32xf32, #tpu.memory_space<hbm>>) dst(%arg5 : memref<1000x32xf32, #tpu.memory_space<vmem_shared>>)
        tpu.yield
      }) : () -> ()
    } else {
    }
    "tpu.region"() ({
      %run_scoped3A = tpu.sem_alloc : memref<!tpu.dma_semaphore, #tpu.memory_space<semaphore_mem>>
      %dma_start3A_264 = arith.constant 0 : i32
      %dma_start3A_265 = arith.constant 0 : i32
      %dma_start3A_266 = tpu.memref_slice %arg3[%add3A, %dma_start3A_264, %dma_start3A_265] : memref<32x40x640xi32, #tpu.memory_space<hbm>> -> memref<1x40x640xi32, #tpu.memory_space<hbm>>
      %dma_start3A_267 = tpu.memref_squeeze %dma_start3A_266 : memref<1x40x640xi32, #tpu.memory_space<hbm>> -> memref<40x640xi32, #tpu.memory_space<hbm>>
      %dma_start3A_268 = arith.constant 0 : i32
      %dma_start3A_269 = arith.constant 0 : i32
      %dma_start3A_270 = tpu.memref_slice %arg3[%add3A, %dma_start3A_268, %dma_start3A_269] : memref<32x40x640xi32, #tpu.memory_space<hbm>> -> memref<1x40x640xi32, #tpu.memory_space<hbm>>
      %dma_start3A_271 = tpu.memref_squeeze %dma_start3A_270 : memref<1x40x640xi32, #tpu.memory_space<hbm>> -> memref<40x640xi32, #tpu.memory_space<hbm>>
      tpu.enqueue_dma source(%dma_start3A_271 : memref<40x640xi32, #tpu.memory_space<hbm>>) target(%arg6 : memref<40x640xi32, #tpu.memory_space<vmem>>) target_semaphore(%run_scoped3A : memref<!tpu.dma_semaphore, #tpu.memory_space<semaphore_mem>>)
      %dma_wait3A_272 = arith.constant 0 : i32
      %dma_wait3A_273 = arith.constant 0 : i32
      %dma_wait3A_274 = tpu.memref_slice %arg3[%add3A, %dma_wait3A_272, %dma_wait3A_273] : memref<32x40x640xi32, #tpu.memory_space<hbm>> -> memref<1x40x640xi32, #tpu.memory_space<hbm>>
      %dma_wait3A_275 = tpu.memref_squeeze %dma_wait3A_274 : memref<1x40x640xi32, #tpu.memory_space<hbm>> -> memref<40x640xi32, #tpu.memory_space<hbm>>
      %dma_wait3A_276 = arith.constant 0 : i32
      %dma_wait3A_277 = arith.constant 0 : i32
      %dma_wait3A_278 = tpu.memref_slice %arg3[%add3A, %dma_wait3A_276, %dma_wait3A_277] : memref<32x40x640xi32, #tpu.memory_space<hbm>> -> memref<1x40x640xi32, #tpu.memory_space<hbm>>
      %dma_wait3A_279 = tpu.memref_squeeze %dma_wait3A_278 : memref<1x40x640xi32, #tpu.memory_space<hbm>> -> memref<40x640xi32, #tpu.memory_space<hbm>>
      tpu.wait_dma2 semaphore(%run_scoped3A : memref<!tpu.dma_semaphore, #tpu.memory_space<semaphore_mem>>) src(%dma_wait3A_279 : memref<40x640xi32, #tpu.memory_space<hbm>>) dst(%arg6 : memref<40x640xi32, #tpu.memory_space<vmem>>)
      tpu.yield
    }) : () -> ()
    %barrier3A = arith.constant 0 : index
    tpu.barrier barrier_id(%barrier3A)
    %dma_start3A = arith.constant 0 : i32
    %dma_start3A_5 = arith.constant 0 : i32
    %dma_start3A_6 = arith.constant 0 : i32
    %dma_start3A_7 = arith.constant 0 : i32
    %dma_start3A_8 = arith.constant 0 : i32
    %dma_start3A_9 = tpu.memref_slice %arg7[%dma_start3A_5, %dma_start3A_7, %dma_start3A_8] : memref<4x640x32xf32, #tpu.memory_space<vmem>> -> memref<1x640x32xf32, #tpu.memory_space<vmem>>
    %dma_start3A_10 = tpu.memref_squeeze %dma_start3A_9 : memref<1x640x32xf32, #tpu.memory_space<vmem>> -> memref<640x32xf32, #tpu.memory_space<vmem>>
    %dma_start3A_11 = arith.constant 0 : i32
    %dma_start3A_12 = tpu.memref_slice %arg6[%dma_start3A, %dma_start3A_11] : memref<40x640xi32, #tpu.memory_space<vmem>> -> memref<1x640xi32, #tpu.memory_space<vmem>>
    %dma_start3A_13 = tpu.memref_squeeze %dma_start3A_12 : memref<1x640xi32, #tpu.memory_space<vmem>> -> memref<640xi32, #tpu.memory_space<vmem>>
    %dma_start3A_14 = arith.constant 0 : i32
    %dma_start3A_15 = arith.constant 0 : i32
    %dma_start3A_16 = tpu.memref_slice %arg5[%dma_start3A_14, %dma_start3A_15] : memref<1000x32xf32, #tpu.memory_space<vmem_shared>> -> memref<1000x32xf32, #tpu.memory_space<vmem_shared>>
    %dma_start3A_17 = tpu.memref_slice %arg8[%dma_start3A_6] : memref<4x!tpu.dma_semaphore, #tpu.memory_space<semaphore_mem>> -> memref<1x!tpu.dma_semaphore, #tpu.memory_space<semaphore_mem>>
    %dma_start3A_18 = tpu.memref_squeeze %dma_start3A_17 : memref<1x!tpu.dma_semaphore, #tpu.memory_space<semaphore_mem>> -> memref<!tpu.dma_semaphore, #tpu.memory_space<semaphore_mem>>
    tpu.enqueue_indirect_dma source(%dma_start3A_16 : memref<1000x32xf32, #tpu.memory_space<vmem_shared>>) target(%dma_start3A_10 : memref<640x32xf32, #tpu.memory_space<vmem>>) offsets(%dma_start3A_13 : memref<640xi32, #tpu.memory_space<vmem>>) semaphore(%dma_start3A_18 : memref<!tpu.dma_semaphore, #tpu.memory_space<semaphore_mem>>)
    %dma_start3A_19 = arith.constant 1 : i32
    %dma_start3A_20 = arith.constant 1 : i32
    %dma_start3A_21 = arith.constant 1 : i32
    %dma_start3A_22 = arith.constant 0 : i32
    %dma_start3A_23 = arith.constant 0 : i32
    %dma_start3A_24 = tpu.memref_slice %arg7[%dma_start3A_20, %dma_start3A_22, %dma_start3A_23] : memref<4x640x32xf32, #tpu.memory_space<vmem>> -> memref<1x640x32xf32, #tpu.memory_space<vmem>>
    %dma_start3A_25 = tpu.memref_squeeze %dma_start3A_24 : memref<1x640x32xf32, #tpu.memory_space<vmem>> -> memref<640x32xf32, #tpu.memory_space<vmem>>
    %dma_start3A_26 = arith.constant 0 : i32
    %dma_start3A_27 = tpu.memref_slice %arg6[%dma_start3A_19, %dma_start3A_26] : memref<40x640xi32, #tpu.memory_space<vmem>> -> memref<1x640xi32, #tpu.memory_space<vmem>>
    %dma_start3A_28 = tpu.memref_squeeze %dma_start3A_27 : memref<1x640xi32, #tpu.memory_space<vmem>> -> memref<640xi32, #tpu.memory_space<vmem>>
    %dma_start3A_29 = arith.constant 0 : i32
    %dma_start3A_30 = arith.constant 0 : i32
    %dma_start3A_31 = tpu.memref_slice %arg5[%dma_start3A_29, %dma_start3A_30] : memref<1000x32xf32, #tpu.memory_space<vmem_shared>> -> memref<1000x32xf32, #tpu.memory_space<vmem_shared>>
    %dma_start3A_32 = tpu.memref_slice %arg8[%dma_start3A_21] : memref<4x!tpu.dma_semaphore, #tpu.memory_space<semaphore_mem>> -> memref<1x!tpu.dma_semaphore, #tpu.memory_space<semaphore_mem>>
    %dma_start3A_33 = tpu.memref_squeeze %dma_start3A_32 : memref<1x!tpu.dma_semaphore, #tpu.memory_space<semaphore_mem>> -> memref<!tpu.dma_semaphore, #tpu.memory_space<semaphore_mem>>
    tpu.enqueue_indirect_dma source(%dma_start3A_31 : memref<1000x32xf32, #tpu.memory_space<vmem_shared>>) target(%dma_start3A_25 : memref<640x32xf32, #tpu.memory_space<vmem>>) offsets(%dma_start3A_28 : memref<640xi32, #tpu.memory_space<vmem>>) semaphore(%dma_start3A_33 : memref<!tpu.dma_semaphore, #tpu.memory_space<semaphore_mem>>)
    %dma_start3A_34 = arith.constant 2 : i32
    %dma_start3A_35 = arith.constant 2 : i32
    %dma_start3A_36 = arith.constant 2 : i32
    %dma_start3A_37 = arith.constant 0 : i32
    %dma_start3A_38 = arith.constant 0 : i32
    %dma_start3A_39 = tpu.memref_slice %arg7[%dma_start3A_35, %dma_start3A_37, %dma_start3A_38] : memref<4x640x32xf32, #tpu.memory_space<vmem>> -> memref<1x640x32xf32, #tpu.memory_space<vmem>>
    %dma_start3A_40 = tpu.memref_squeeze %dma_start3A_39 : memref<1x640x32xf32, #tpu.memory_space<vmem>> -> memref<640x32xf32, #tpu.memory_space<vmem>>
    %dma_start3A_41 = arith.constant 0 : i32
    %dma_start3A_42 = tpu.memref_slice %arg6[%dma_start3A_34, %dma_start3A_41] : memref<40x640xi32, #tpu.memory_space<vmem>> -> memref<1x640xi32, #tpu.memory_space<vmem>>
    %dma_start3A_43 = tpu.memref_squeeze %dma_start3A_42 : memref<1x640xi32, #tpu.memory_space<vmem>> -> memref<640xi32, #tpu.memory_space<vmem>>
    %dma_start3A_44 = arith.constant 0 : i32
    %dma_start3A_45 = arith.constant 0 : i32
    %dma_start3A_46 = tpu.memref_slice %arg5[%dma_start3A_44, %dma_start3A_45] : memref<1000x32xf32, #tpu.memory_space<vmem_shared>> -> memref<1000x32xf32, #tpu.memory_space<vmem_shared>>
    %dma_start3A_47 = tpu.memref_slice %arg8[%dma_start3A_36] : memref<4x!tpu.dma_semaphore, #tpu.memory_space<semaphore_mem>> -> memref<1x!tpu.dma_semaphore, #tpu.memory_space<semaphore_mem>>
    %dma_start3A_48 = tpu.memref_squeeze %dma_start3A_47 : memref<1x!tpu.dma_semaphore, #tpu.memory_space<semaphore_mem>> -> memref<!tpu.dma_semaphore, #tpu.memory_space<semaphore_mem>>
    tpu.enqueue_indirect_dma source(%dma_start3A_46 : memref<1000x32xf32, #tpu.memory_space<vmem_shared>>) target(%dma_start3A_40 : memref<640x32xf32, #tpu.memory_space<vmem>>) offsets(%dma_start3A_43 : memref<640xi32, #tpu.memory_space<vmem>>) semaphore(%dma_start3A_48 : memref<!tpu.dma_semaphore, #tpu.memory_space<semaphore_mem>>)
    %dma_wait3A = arith.constant 0 : i32
    %dma_wait3A_49 = arith.constant 0 : i32
    %dma_wait3A_50 = arith.constant 0 : i32
    %dma_wait3A_51 = arith.constant 0 : i32
    %dma_wait3A_52 = arith.constant 0 : i32
    %dma_wait3A_53 = tpu.memref_slice %arg7[%dma_wait3A_49, %dma_wait3A_51, %dma_wait3A_52] : memref<4x640x32xf32, #tpu.memory_space<vmem>> -> memref<1x640x32xf32, #tpu.memory_space<vmem>>
    %dma_wait3A_54 = tpu.memref_squeeze %dma_wait3A_53 : memref<1x640x32xf32, #tpu.memory_space<vmem>> -> memref<640x32xf32, #tpu.memory_space<vmem>>
    %dma_wait3A_55 = arith.constant 0 : i32
    %dma_wait3A_56 = tpu.memref_slice %arg6[%dma_wait3A, %dma_wait3A_55] : memref<40x640xi32, #tpu.memory_space<vmem>> -> memref<1x640xi32, #tpu.memory_space<vmem>>
    %dma_wait3A_57 = tpu.memref_squeeze %dma_wait3A_56 : memref<1x640xi32, #tpu.memory_space<vmem>> -> memref<640xi32, #tpu.memory_space<vmem>>
    %dma_wait3A_58 = arith.constant 0 : i32
    %dma_wait3A_59 = arith.constant 0 : i32
    %dma_wait3A_60 = tpu.memref_slice %arg5[%dma_wait3A_58, %dma_wait3A_59] : memref<1000x32xf32, #tpu.memory_space<vmem_shared>> -> memref<1000x32xf32, #tpu.memory_space<vmem_shared>>
    %dma_wait3A_61 = tpu.memref_slice %arg8[%dma_wait3A_50] : memref<4x!tpu.dma_semaphore, #tpu.memory_space<semaphore_mem>> -> memref<1x!tpu.dma_semaphore, #tpu.memory_space<semaphore_mem>>
    %dma_wait3A_62 = tpu.memref_squeeze %dma_wait3A_61 : memref<1x!tpu.dma_semaphore, #tpu.memory_space<semaphore_mem>> -> memref<!tpu.dma_semaphore, #tpu.memory_space<semaphore_mem>>
    tpu.wait_indirect_dma semaphore(%dma_wait3A_62 : memref<!tpu.dma_semaphore, #tpu.memory_space<semaphore_mem>>) src(%dma_wait3A_60 : memref<1000x32xf32, #tpu.memory_space<vmem_shared>>) dst(%dma_wait3A_54 : memref<640x32xf32, #tpu.memory_space<vmem>>)
    %add3A_63 = arith.constant 0 : i32
    %add3A_64 = arith.addi %mul3A_2, %add3A_63 : i32
    %dma_start3A_65 = arith.constant 0 : i32
    %dma_start3A_66 = arith.constant 0 : i32
    %dma_start3A_67 = arith.constant 0 : i32
    %dma_start3A_68 = arith.constant 0 : i32
    %dma_start3A_69 = tpu.memref_slice %arg7[%dma_start3A_65, %dma_start3A_67, %dma_start3A_68] : memref<4x640x32xf32, #tpu.memory_space<vmem>> -> memref<1x640x32xf32, #tpu.memory_space<vmem>>
    %dma_start3A_70 = tpu.memref_squeeze %dma_start3A_69 : memref<1x640x32xf32, #tpu.memory_space<vmem>> -> memref<640x32xf32, #tpu.memory_space<vmem>>
    %dma_start3A_71 = arith.constant 0 : i32
    %dma_start3A_72 = tpu.memref_slice %arg4[%add3A_64, %dma_start3A_71] : memref<819200x32xf32, #tpu.memory_space<hbm>> -> memref<640x32xf32, #tpu.memory_space<hbm>>
    %dma_start3A_73 = tpu.memref_slice %arg9[%dma_start3A_66] : memref<4x!tpu.dma_semaphore, #tpu.memory_space<semaphore_mem>> -> memref<1x!tpu.dma_semaphore, #tpu.memory_space<semaphore_mem>>
    %dma_start3A_74 = tpu.memref_squeeze %dma_start3A_73 : memref<1x!tpu.dma_semaphore, #tpu.memory_space<semaphore_mem>> -> memref<!tpu.dma_semaphore, #tpu.memory_space<semaphore_mem>>
    %dma_start3A_75 = arith.constant 0 : i32
    %dma_start3A_76 = tpu.memref_slice %arg4[%add3A_64, %dma_start3A_75] : memref<819200x32xf32, #tpu.memory_space<hbm>> -> memref<640x32xf32, #tpu.memory_space<hbm>>
    %dma_start3A_77 = arith.constant 0 : i32
    %dma_start3A_78 = arith.constant 0 : i32
    %dma_start3A_79 = tpu.memref_slice %arg7[%dma_start3A_65, %dma_start3A_77, %dma_start3A_78] : memref<4x640x32xf32, #tpu.memory_space<vmem>> -> memref<1x640x32xf32, #tpu.memory_space<vmem>>
    %dma_start3A_80 = tpu.memref_squeeze %dma_start3A_79 : memref<1x640x32xf32, #tpu.memory_space<vmem>> -> memref<640x32xf32, #tpu.memory_space<vmem>>
    tpu.enqueue_dma source(%dma_start3A_80 : memref<640x32xf32, #tpu.memory_space<vmem>>) target(%dma_start3A_76 : memref<640x32xf32, #tpu.memory_space<hbm>>) target_semaphore(%dma_start3A_74 : memref<!tpu.dma_semaphore, #tpu.memory_space<semaphore_mem>>)
    %dma_start3A_81 = arith.constant 3 : i32
    %dma_start3A_82 = arith.constant 3 : i32
    %dma_start3A_83 = arith.constant 3 : i32
    %dma_start3A_84 = arith.constant 0 : i32
    %dma_start3A_85 = arith.constant 0 : i32
    %dma_start3A_86 = tpu.memref_slice %arg7[%dma_start3A_82, %dma_start3A_84, %dma_start3A_85] : memref<4x640x32xf32, #tpu.memory_space<vmem>> -> memref<1x640x32xf32, #tpu.memory_space<vmem>>
    %dma_start3A_87 = tpu.memref_squeeze %dma_start3A_86 : memref<1x640x32xf32, #tpu.memory_space<vmem>> -> memref<640x32xf32, #tpu.memory_space<vmem>>
    %dma_start3A_88 = arith.constant 0 : i32
    %dma_start3A_89 = tpu.memref_slice %arg6[%dma_start3A_81, %dma_start3A_88] : memref<40x640xi32, #tpu.memory_space<vmem>> -> memref<1x640xi32, #tpu.memory_space<vmem>>
    %dma_start3A_90 = tpu.memref_squeeze %dma_start3A_89 : memref<1x640xi32, #tpu.memory_space<vmem>> -> memref<640xi32, #tpu.memory_space<vmem>>
    %dma_start3A_91 = arith.constant 0 : i32
    %dma_start3A_92 = arith.constant 0 : i32
    %dma_start3A_93 = tpu.memref_slice %arg5[%dma_start3A_91, %dma_start3A_92] : memref<1000x32xf32, #tpu.memory_space<vmem_shared>> -> memref<1000x32xf32, #tpu.memory_space<vmem_shared>>
    %dma_start3A_94 = tpu.memref_slice %arg8[%dma_start3A_83] : memref<4x!tpu.dma_semaphore, #tpu.memory_space<semaphore_mem>> -> memref<1x!tpu.dma_semaphore, #tpu.memory_space<semaphore_mem>>
    %dma_start3A_95 = tpu.memref_squeeze %dma_start3A_94 : memref<1x!tpu.dma_semaphore, #tpu.memory_space<semaphore_mem>> -> memref<!tpu.dma_semaphore, #tpu.memory_space<semaphore_mem>>
    tpu.enqueue_indirect_dma source(%dma_start3A_93 : memref<1000x32xf32, #tpu.memory_space<vmem_shared>>) target(%dma_start3A_87 : memref<640x32xf32, #tpu.memory_space<vmem>>) offsets(%dma_start3A_90 : memref<640xi32, #tpu.memory_space<vmem>>) semaphore(%dma_start3A_95 : memref<!tpu.dma_semaphore, #tpu.memory_space<semaphore_mem>>)
    %dma_wait3A_96 = arith.constant 0 : i32
    %dma_wait3A_97 = arith.constant 1 : i32
    %dma_wait3A_98 = arith.constant 1 : i32
    %dma_wait3A_99 = arith.constant 0 : i32
    %dma_wait3A_100 = arith.constant 0 : i32
    %dma_wait3A_101 = tpu.memref_slice %arg7[%dma_wait3A_97, %dma_wait3A_99, %dma_wait3A_100] : memref<4x640x32xf32, #tpu.memory_space<vmem>> -> memref<1x640x32xf32, #tpu.memory_space<vmem>>
    %dma_wait3A_102 = tpu.memref_squeeze %dma_wait3A_101 : memref<1x640x32xf32, #tpu.memory_space<vmem>> -> memref<640x32xf32, #tpu.memory_space<vmem>>
    %dma_wait3A_103 = arith.constant 0 : i32
    %dma_wait3A_104 = tpu.memref_slice %arg6[%dma_wait3A_96, %dma_wait3A_103] : memref<40x640xi32, #tpu.memory_space<vmem>> -> memref<1x640xi32, #tpu.memory_space<vmem>>
    %dma_wait3A_105 = tpu.memref_squeeze %dma_wait3A_104 : memref<1x640xi32, #tpu.memory_space<vmem>> -> memref<640xi32, #tpu.memory_space<vmem>>
    %dma_wait3A_106 = arith.constant 0 : i32
    %dma_wait3A_107 = arith.constant 0 : i32
    %dma_wait3A_108 = tpu.memref_slice %arg5[%dma_wait3A_106, %dma_wait3A_107] : memref<1000x32xf32, #tpu.memory_space<vmem_shared>> -> memref<1000x32xf32, #tpu.memory_space<vmem_shared>>
    %dma_wait3A_109 = tpu.memref_slice %arg8[%dma_wait3A_98] : memref<4x!tpu.dma_semaphore, #tpu.memory_space<semaphore_mem>> -> memref<1x!tpu.dma_semaphore, #tpu.memory_space<semaphore_mem>>
    %dma_wait3A_110 = tpu.memref_squeeze %dma_wait3A_109 : memref<1x!tpu.dma_semaphore, #tpu.memory_space<semaphore_mem>> -> memref<!tpu.dma_semaphore, #tpu.memory_space<semaphore_mem>>
    tpu.wait_indirect_dma semaphore(%dma_wait3A_110 : memref<!tpu.dma_semaphore, #tpu.memory_space<semaphore_mem>>) src(%dma_wait3A_108 : memref<1000x32xf32, #tpu.memory_space<vmem_shared>>) dst(%dma_wait3A_102 : memref<640x32xf32, #tpu.memory_space<vmem>>)
    %add3A_111 = arith.constant 640 : i32
    %add3A_112 = arith.addi %mul3A_2, %add3A_111 : i32
    %dma_start3A_113 = arith.constant 1 : i32
    %dma_start3A_114 = arith.constant 1 : i32
    %dma_start3A_115 = arith.constant 0 : i32
    %dma_start3A_116 = arith.constant 0 : i32
    %dma_start3A_117 = tpu.memref_slice %arg7[%dma_start3A_113, %dma_start3A_115, %dma_start3A_116] : memref<4x640x32xf32, #tpu.memory_space<vmem>> -> memref<1x640x32xf32, #tpu.memory_space<vmem>>
    %dma_start3A_118 = tpu.memref_squeeze %dma_start3A_117 : memref<1x640x32xf32, #tpu.memory_space<vmem>> -> memref<640x32xf32, #tpu.memory_space<vmem>>
    %dma_start3A_119 = arith.constant 0 : i32
    %dma_start3A_120 = tpu.memref_slice %arg4[%add3A_112, %dma_start3A_119] : memref<819200x32xf32, #tpu.memory_space<hbm>> -> memref<640x32xf32, #tpu.memory_space<hbm>>
    %dma_start3A_121 = tpu.memref_slice %arg9[%dma_start3A_114] : memref<4x!tpu.dma_semaphore, #tpu.memory_space<semaphore_mem>> -> memref<1x!tpu.dma_semaphore, #tpu.memory_space<semaphore_mem>>
    %dma_start3A_122 = tpu.memref_squeeze %dma_start3A_121 : memref<1x!tpu.dma_semaphore, #tpu.memory_space<semaphore_mem>> -> memref<!tpu.dma_semaphore, #tpu.memory_space<semaphore_mem>>
    %dma_start3A_123 = arith.constant 0 : i32
    %dma_start3A_124 = tpu.memref_slice %arg4[%add3A_112, %dma_start3A_123] : memref<819200x32xf32, #tpu.memory_space<hbm>> -> memref<640x32xf32, #tpu.memory_space<hbm>>
    %dma_start3A_125 = arith.constant 0 : i32
    %dma_start3A_126 = arith.constant 0 : i32
    %dma_start3A_127 = tpu.memref_slice %arg7[%dma_start3A_113, %dma_start3A_125, %dma_start3A_126] : memref<4x640x32xf32, #tpu.memory_space<vmem>> -> memref<1x640x32xf32, #tpu.memory_space<vmem>>
    %dma_start3A_128 = tpu.memref_squeeze %dma_start3A_127 : memref<1x640x32xf32, #tpu.memory_space<vmem>> -> memref<640x32xf32, #tpu.memory_space<vmem>>
    tpu.enqueue_dma source(%dma_start3A_128 : memref<640x32xf32, #tpu.memory_space<vmem>>) target(%dma_start3A_124 : memref<640x32xf32, #tpu.memory_space<hbm>>) target_semaphore(%dma_start3A_122 : memref<!tpu.dma_semaphore, #tpu.memory_space<semaphore_mem>>)
    %scan3A = arith.constant 0 : i32
    %scan3A_129 = arith.constant 0 : i32
    %scan3A_130 = arith.constant 9 : i32
    %scan3A_131 = arith.addi %scan3A_129, %scan3A_130 : i32
    %scan3A_132 = arith.constant 1 : i32
    scf.for %scan3A_264 = %scan3A_129 to %scan3A_131 step %scan3A_132  : i32 {
      %mul3A_265 = arith.constant 4 : i32
      %mul3A_266 = arith.muli %scan3A_264, %mul3A_265 : i32
      %add3A_267 = arith.constant 2 : i32
      %add3A_268 = arith.addi %add3A_267, %mul3A_266 : i32
      %add3A_269 = arith.constant 0 : i32
      %add3A_270 = arith.addi %add3A_268, %add3A_269 : i32
      %dma_wait3A_271 = arith.constant 0 : i32
      %dma_wait3A_272 = arith.constant 0 : i32
      %dma_wait3A_273 = arith.constant 0 : i32
      %dma_wait3A_274 = arith.constant 0 : i32
      %dma_wait3A_275 = tpu.memref_slice %arg7[%dma_wait3A_271, %dma_wait3A_273, %dma_wait3A_274] : memref<4x640x32xf32, #tpu.memory_space<vmem>> -> memref<1x640x32xf32, #tpu.memory_space<vmem>>
      %dma_wait3A_276 = tpu.memref_squeeze %dma_wait3A_275 : memref<1x640x32xf32, #tpu.memory_space<vmem>> -> memref<640x32xf32, #tpu.memory_space<vmem>>
      %dma_wait3A_277 = arith.constant 0 : i32
      %dma_wait3A_278 = tpu.memref_slice %arg4[%mul3A_2, %dma_wait3A_277] : memref<819200x32xf32, #tpu.memory_space<hbm>> -> memref<640x32xf32, #tpu.memory_space<hbm>>
      %dma_wait3A_279 = tpu.memref_slice %arg9[%dma_wait3A_272] : memref<4x!tpu.dma_semaphore, #tpu.memory_space<semaphore_mem>> -> memref<1x!tpu.dma_semaphore, #tpu.memory_space<semaphore_mem>>
      %dma_wait3A_280 = tpu.memref_squeeze %dma_wait3A_279 : memref<1x!tpu.dma_semaphore, #tpu.memory_space<semaphore_mem>> -> memref<!tpu.dma_semaphore, #tpu.memory_space<semaphore_mem>>
      %dma_wait3A_281 = arith.constant 0 : i32
      %dma_wait3A_282 = tpu.memref_slice %arg4[%mul3A_2, %dma_wait3A_281] : memref<819200x32xf32, #tpu.memory_space<hbm>> -> memref<640x32xf32, #tpu.memory_space<hbm>>
      %dma_wait3A_283 = arith.constant 0 : i32
      %dma_wait3A_284 = arith.constant 0 : i32
      %dma_wait3A_285 = tpu.memref_slice %arg7[%dma_wait3A_271, %dma_wait3A_283, %dma_wait3A_284] : memref<4x640x32xf32, #tpu.memory_space<vmem>> -> memref<1x640x32xf32, #tpu.memory_space<vmem>>
      %dma_wait3A_286 = tpu.memref_squeeze %dma_wait3A_285 : memref<1x640x32xf32, #tpu.memory_space<vmem>> -> memref<640x32xf32, #tpu.memory_space<vmem>>
      tpu.wait_dma2 semaphore(%dma_wait3A_280 : memref<!tpu.dma_semaphore, #tpu.memory_space<semaphore_mem>>) src(%dma_wait3A_286 : memref<640x32xf32, #tpu.memory_space<vmem>>) dst(%dma_wait3A_282 : memref<640x32xf32, #tpu.memory_space<hbm>>)
      %add3A_287 = arith.constant 2 : i32
      %add3A_288 = arith.addi %add3A_270, %add3A_287 : i32
      %dma_start3A_289 = arith.constant 0 : i32
      %dma_start3A_290 = arith.constant 0 : i32
      %dma_start3A_291 = arith.constant 0 : i32
      %dma_start3A_292 = arith.constant 0 : i32
      %dma_start3A_293 = tpu.memref_slice %arg7[%dma_start3A_289, %dma_start3A_291, %dma_start3A_292] : memref<4x640x32xf32, #tpu.memory_space<vmem>> -> memref<1x640x32xf32, #tpu.memory_space<vmem>>
      %dma_start3A_294 = tpu.memref_squeeze %dma_start3A_293 : memref<1x640x32xf32, #tpu.memory_space<vmem>> -> memref<640x32xf32, #tpu.memory_space<vmem>>
      %dma_start3A_295 = arith.constant 0 : i32
      %dma_start3A_296 = tpu.memref_slice %arg6[%add3A_288, %dma_start3A_295] : memref<40x640xi32, #tpu.memory_space<vmem>> -> memref<1x640xi32, #tpu.memory_space<vmem>>
      %dma_start3A_297 = tpu.memref_squeeze %dma_start3A_296 : memref<1x640xi32, #tpu.memory_space<vmem>> -> memref<640xi32, #tpu.memory_space<vmem>>
      %dma_start3A_298 = arith.constant 0 : i32
      %dma_start3A_299 = arith.constant 0 : i32
      %dma_start3A_300 = tpu.memref_slice %arg5[%dma_start3A_298, %dma_start3A_299] : memref<1000x32xf32, #tpu.memory_space<vmem_shared>> -> memref<1000x32xf32, #tpu.memory_space<vmem_shared>>
      %dma_start3A_301 = tpu.memref_slice %arg8[%dma_start3A_290] : memref<4x!tpu.dma_semaphore, #tpu.memory_space<semaphore_mem>> -> memref<1x!tpu.dma_semaphore, #tpu.memory_space<semaphore_mem>>
      %dma_start3A_302 = tpu.memref_squeeze %dma_start3A_301 : memref<1x!tpu.dma_semaphore, #tpu.memory_space<semaphore_mem>> -> memref<!tpu.dma_semaphore, #tpu.memory_space<semaphore_mem>>
      tpu.enqueue_indirect_dma source(%dma_start3A_300 : memref<1000x32xf32, #tpu.memory_space<vmem_shared>>) target(%dma_start3A_294 : memref<640x32xf32, #tpu.memory_space<vmem>>) offsets(%dma_start3A_297 : memref<640xi32, #tpu.memory_space<vmem>>) semaphore(%dma_start3A_302 : memref<!tpu.dma_semaphore, #tpu.memory_space<semaphore_mem>>)
      %dma_wait3A_303 = arith.constant 0 : i32
      %dma_wait3A_304 = arith.constant 2 : i32
      %dma_wait3A_305 = arith.constant 2 : i32
      %dma_wait3A_306 = arith.constant 0 : i32
      %dma_wait3A_307 = arith.constant 0 : i32
      %dma_wait3A_308 = tpu.memref_slice %arg7[%dma_wait3A_304, %dma_wait3A_306, %dma_wait3A_307] : memref<4x640x32xf32, #tpu.memory_space<vmem>> -> memref<1x640x32xf32, #tpu.memory_space<vmem>>
      %dma_wait3A_309 = tpu.memref_squeeze %dma_wait3A_308 : memref<1x640x32xf32, #tpu.memory_space<vmem>> -> memref<640x32xf32, #tpu.memory_space<vmem>>
      %dma_wait3A_310 = arith.constant 0 : i32
      %dma_wait3A_311 = tpu.memref_slice %arg6[%dma_wait3A_303, %dma_wait3A_310] : memref<40x640xi32, #tpu.memory_space<vmem>> -> memref<1x640xi32, #tpu.memory_space<vmem>>
      %dma_wait3A_312 = tpu.memref_squeeze %dma_wait3A_311 : memref<1x640xi32, #tpu.memory_space<vmem>> -> memref<640xi32, #tpu.memory_space<vmem>>
      %dma_wait3A_313 = arith.constant 0 : i32
      %dma_wait3A_314 = arith.constant 0 : i32
      %dma_wait3A_315 = tpu.memref_slice %arg5[%dma_wait3A_313, %dma_wait3A_314] : memref<1000x32xf32, #tpu.memory_space<vmem_shared>> -> memref<1000x32xf32, #tpu.memory_space<vmem_shared>>
      %dma_wait3A_316 = tpu.memref_slice %arg8[%dma_wait3A_305] : memref<4x!tpu.dma_semaphore, #tpu.memory_space<semaphore_mem>> -> memref<1x!tpu.dma_semaphore, #tpu.memory_space<semaphore_mem>>
      %dma_wait3A_317 = tpu.memref_squeeze %dma_wait3A_316 : memref<1x!tpu.dma_semaphore, #tpu.memory_space<semaphore_mem>> -> memref<!tpu.dma_semaphore, #tpu.memory_space<semaphore_mem>>
      tpu.wait_indirect_dma semaphore(%dma_wait3A_317 : memref<!tpu.dma_semaphore, #tpu.memory_space<semaphore_mem>>) src(%dma_wait3A_315 : memref<1000x32xf32, #tpu.memory_space<vmem_shared>>) dst(%dma_wait3A_309 : memref<640x32xf32, #tpu.memory_space<vmem>>)
      %mul3A_318 = arith.constant 640 : i32
      %mul3A_319 = arith.muli %add3A_270, %mul3A_318 : i32
      %add3A_320 = arith.addi %mul3A_2, %mul3A_319 : i32
      %dma_start3A_321 = arith.constant 2 : i32
      %dma_start3A_322 = arith.constant 2 : i32
      %dma_start3A_323 = arith.constant 0 : i32
      %dma_start3A_324 = arith.constant 0 : i32
      %dma_start3A_325 = tpu.memref_slice %arg7[%dma_start3A_321, %dma_start3A_323, %dma_start3A_324] : memref<4x640x32xf32, #tpu.memory_space<vmem>> -> memref<1x640x32xf32, #tpu.memory_space<vmem>>
      %dma_start3A_326 = tpu.memref_squeeze %dma_start3A_325 : memref<1x640x32xf32, #tpu.memory_space<vmem>> -> memref<640x32xf32, #tpu.memory_space<vmem>>
      %dma_start3A_327 = arith.constant 0 : i32
      %dma_start3A_328 = tpu.memref_slice %arg4[%add3A_320, %dma_start3A_327] : memref<819200x32xf32, #tpu.memory_space<hbm>> -> memref<640x32xf32, #tpu.memory_space<hbm>>
      %dma_start3A_329 = tpu.memref_slice %arg9[%dma_start3A_322] : memref<4x!tpu.dma_semaphore, #tpu.memory_space<semaphore_mem>> -> memref<1x!tpu.dma_semaphore, #tpu.memory_space<semaphore_mem>>
      %dma_start3A_330 = tpu.memref_squeeze %dma_start3A_329 : memref<1x!tpu.dma_semaphore, #tpu.memory_space<semaphore_mem>> -> memref<!tpu.dma_semaphore, #tpu.memory_space<semaphore_mem>>
      %dma_start3A_331 = arith.constant 0 : i32
      %dma_start3A_332 = tpu.memref_slice %arg4[%add3A_320, %dma_start3A_331] : memref<819200x32xf32, #tpu.memory_space<hbm>> -> memref<640x32xf32, #tpu.memory_space<hbm>>
      %dma_start3A_333 = arith.constant 0 : i32
      %dma_start3A_334 = arith.constant 0 : i32
      %dma_start3A_335 = tpu.memref_slice %arg7[%dma_start3A_321, %dma_start3A_333, %dma_start3A_334] : memref<4x640x32xf32, #tpu.memory_space<vmem>> -> memref<1x640x32xf32, #tpu.memory_space<vmem>>
      %dma_start3A_336 = tpu.memref_squeeze %dma_start3A_335 : memref<1x640x32xf32, #tpu.memory_space<vmem>> -> memref<640x32xf32, #tpu.memory_space<vmem>>
      tpu.enqueue_dma source(%dma_start3A_336 : memref<640x32xf32, #tpu.memory_space<vmem>>) target(%dma_start3A_332 : memref<640x32xf32, #tpu.memory_space<hbm>>) target_semaphore(%dma_start3A_330 : memref<!tpu.dma_semaphore, #tpu.memory_space<semaphore_mem>>)
      %add3A_337 = arith.constant 1 : i32
      %add3A_338 = arith.addi %add3A_268, %add3A_337 : i32
      %dma_wait3A_339 = arith.constant 1 : i32
      %dma_wait3A_340 = arith.constant 1 : i32
      %dma_wait3A_341 = arith.constant 0 : i32
      %dma_wait3A_342 = arith.constant 0 : i32
      %dma_wait3A_343 = tpu.memref_slice %arg7[%dma_wait3A_339, %dma_wait3A_341, %dma_wait3A_342] : memref<4x640x32xf32, #tpu.memory_space<vmem>> -> memref<1x640x32xf32, #tpu.memory_space<vmem>>
      %dma_wait3A_344 = tpu.memref_squeeze %dma_wait3A_343 : memref<1x640x32xf32, #tpu.memory_space<vmem>> -> memref<640x32xf32, #tpu.memory_space<vmem>>
      %dma_wait3A_345 = arith.constant 0 : i32
      %dma_wait3A_346 = tpu.memref_slice %arg4[%mul3A_2, %dma_wait3A_345] : memref<819200x32xf32, #tpu.memory_space<hbm>> -> memref<640x32xf32, #tpu.memory_space<hbm>>
      %dma_wait3A_347 = tpu.memref_slice %arg9[%dma_wait3A_340] : memref<4x!tpu.dma_semaphore, #tpu.memory_space<semaphore_mem>> -> memref<1x!tpu.dma_semaphore, #tpu.memory_space<semaphore_mem>>
      %dma_wait3A_348 = tpu.memref_squeeze %dma_wait3A_347 : memref<1x!tpu.dma_semaphore, #tpu.memory_space<semaphore_mem>> -> memref<!tpu.dma_semaphore, #tpu.memory_space<semaphore_mem>>
      %dma_wait3A_349 = arith.constant 0 : i32
      %dma_wait3A_350 = tpu.memref_slice %arg4[%mul3A_2, %dma_wait3A_349] : memref<819200x32xf32, #tpu.memory_space<hbm>> -> memref<640x32xf32, #tpu.memory_space<hbm>>
      %dma_wait3A_351 = arith.constant 0 : i32
      %dma_wait3A_352 = arith.constant 0 : i32
      %dma_wait3A_353 = tpu.memref_slice %arg7[%dma_wait3A_339, %dma_wait3A_351, %dma_wait3A_352] : memref<4x640x32xf32, #tpu.memory_space<vmem>> -> memref<1x640x32xf32, #tpu.memory_space<vmem>>
      %dma_wait3A_354 = tpu.memref_squeeze %dma_wait3A_353 : memref<1x640x32xf32, #tpu.memory_space<vmem>> -> memref<640x32xf32, #tpu.memory_space<vmem>>
      tpu.wait_dma2 semaphore(%dma_wait3A_348 : memref<!tpu.dma_semaphore, #tpu.memory_space<semaphore_mem>>) src(%dma_wait3A_354 : memref<640x32xf32, #tpu.memory_space<vmem>>) dst(%dma_wait3A_350 : memref<640x32xf32, #tpu.memory_space<hbm>>)
      %add3A_355 = arith.constant 2 : i32
      %add3A_356 = arith.addi %add3A_338, %add3A_355 : i32
      %dma_start3A_357 = arith.constant 1 : i32
      %dma_start3A_358 = arith.constant 1 : i32
      %dma_start3A_359 = arith.constant 0 : i32
      %dma_start3A_360 = arith.constant 0 : i32
      %dma_start3A_361 = tpu.memref_slice %arg7[%dma_start3A_357, %dma_start3A_359, %dma_start3A_360] : memref<4x640x32xf32, #tpu.memory_space<vmem>> -> memref<1x640x32xf32, #tpu.memory_space<vmem>>
      %dma_start3A_362 = tpu.memref_squeeze %dma_start3A_361 : memref<1x640x32xf32, #tpu.memory_space<vmem>> -> memref<640x32xf32, #tpu.memory_space<vmem>>
      %dma_start3A_363 = arith.constant 0 : i32
      %dma_start3A_364 = tpu.memref_slice %arg6[%add3A_356, %dma_start3A_363] : memref<40x640xi32, #tpu.memory_space<vmem>> -> memref<1x640xi32, #tpu.memory_space<vmem>>
      %dma_start3A_365 = tpu.memref_squeeze %dma_start3A_364 : memref<1x640xi32, #tpu.memory_space<vmem>> -> memref<640xi32, #tpu.memory_space<vmem>>
      %dma_start3A_366 = arith.constant 0 : i32
      %dma_start3A_367 = arith.constant 0 : i32
      %dma_start3A_368 = tpu.memref_slice %arg5[%dma_start3A_366, %dma_start3A_367] : memref<1000x32xf32, #tpu.memory_space<vmem_shared>> -> memref<1000x32xf32, #tpu.memory_space<vmem_shared>>
      %dma_start3A_369 = tpu.memref_slice %arg8[%dma_start3A_358] : memref<4x!tpu.dma_semaphore, #tpu.memory_space<semaphore_mem>> -> memref<1x!tpu.dma_semaphore, #tpu.memory_space<semaphore_mem>>
      %dma_start3A_370 = tpu.memref_squeeze %dma_start3A_369 : memref<1x!tpu.dma_semaphore, #tpu.memory_space<semaphore_mem>> -> memref<!tpu.dma_semaphore, #tpu.memory_space<semaphore_mem>>
      tpu.enqueue_indirect_dma source(%dma_start3A_368 : memref<1000x32xf32, #tpu.memory_space<vmem_shared>>) target(%dma_start3A_362 : memref<640x32xf32, #tpu.memory_space<vmem>>) offsets(%dma_start3A_365 : memref<640xi32, #tpu.memory_space<vmem>>) semaphore(%dma_start3A_370 : memref<!tpu.dma_semaphore, #tpu.memory_space<semaphore_mem>>)
      %dma_wait3A_371 = arith.constant 0 : i32
      %dma_wait3A_372 = arith.constant 3 : i32
      %dma_wait3A_373 = arith.constant 3 : i32
      %dma_wait3A_374 = arith.constant 0 : i32
      %dma_wait3A_375 = arith.constant 0 : i32
      %dma_wait3A_376 = tpu.memref_slice %arg7[%dma_wait3A_372, %dma_wait3A_374, %dma_wait3A_375] : memref<4x640x32xf32, #tpu.memory_space<vmem>> -> memref<1x640x32xf32, #tpu.memory_space<vmem>>
      %dma_wait3A_377 = tpu.memref_squeeze %dma_wait3A_376 : memref<1x640x32xf32, #tpu.memory_space<vmem>> -> memref<640x32xf32, #tpu.memory_space<vmem>>
      %dma_wait3A_378 = arith.constant 0 : i32
      %dma_wait3A_379 = tpu.memref_slice %arg6[%dma_wait3A_371, %dma_wait3A_378] : memref<40x640xi32, #tpu.memory_space<vmem>> -> memref<1x640xi32, #tpu.memory_space<vmem>>
      %dma_wait3A_380 = tpu.memref_squeeze %dma_wait3A_379 : memref<1x640xi32, #tpu.memory_space<vmem>> -> memref<640xi32, #tpu.memory_space<vmem>>
      %dma_wait3A_381 = arith.constant 0 : i32
      %dma_wait3A_382 = arith.constant 0 : i32
      %dma_wait3A_383 = tpu.memref_slice %arg5[%dma_wait3A_381, %dma_wait3A_382] : memref<1000x32xf32, #tpu.memory_space<vmem_shared>> -> memref<1000x32xf32, #tpu.memory_space<vmem_shared>>
      %dma_wait3A_384 = tpu.memref_slice %arg8[%dma_wait3A_373] : memref<4x!tpu.dma_semaphore, #tpu.memory_space<semaphore_mem>> -> memref<1x!tpu.dma_semaphore, #tpu.memory_space<semaphore_mem>>
      %dma_wait3A_385 = tpu.memref_squeeze %dma_wait3A_384 : memref<1x!tpu.dma_semaphore, #tpu.memory_space<semaphore_mem>> -> memref<!tpu.dma_semaphore, #tpu.memory_space<semaphore_mem>>
      tpu.wait_indirect_dma semaphore(%dma_wait3A_385 : memref<!tpu.dma_semaphore, #tpu.memory_space<semaphore_mem>>) src(%dma_wait3A_383 : memref<1000x32xf32, #tpu.memory_space<vmem_shared>>) dst(%dma_wait3A_377 : memref<640x32xf32, #tpu.memory_space<vmem>>)
      %mul3A_386 = arith.constant 640 : i32
      %mul3A_387 = arith.muli %add3A_338, %mul3A_386 : i32
      %add3A_388 = arith.addi %mul3A_2, %mul3A_387 : i32
      %dma_start3A_389 = arith.constant 3 : i32
      %dma_start3A_390 = arith.constant 3 : i32
      %dma_start3A_391 = arith.constant 0 : i32
      %dma_start3A_392 = arith.constant 0 : i32
      %dma_start3A_393 = tpu.memref_slice %arg7[%dma_start3A_389, %dma_start3A_391, %dma_start3A_392] : memref<4x640x32xf32, #tpu.memory_space<vmem>> -> memref<1x640x32xf32, #tpu.memory_space<vmem>>
      %dma_start3A_394 = tpu.memref_squeeze %dma_start3A_393 : memref<1x640x32xf32, #tpu.memory_space<vmem>> -> memref<640x32xf32, #tpu.memory_space<vmem>>
      %dma_start3A_395 = arith.constant 0 : i32
      %dma_start3A_396 = tpu.memref_slice %arg4[%add3A_388, %dma_start3A_395] : memref<819200x32xf32, #tpu.memory_space<hbm>> -> memref<640x32xf32, #tpu.memory_space<hbm>>
      %dma_start3A_397 = tpu.memref_slice %arg9[%dma_start3A_390] : memref<4x!tpu.dma_semaphore, #tpu.memory_space<semaphore_mem>> -> memref<1x!tpu.dma_semaphore, #tpu.memory_space<semaphore_mem>>
      %dma_start3A_398 = tpu.memref_squeeze %dma_start3A_397 : memref<1x!tpu.dma_semaphore, #tpu.memory_space<semaphore_mem>> -> memref<!tpu.dma_semaphore, #tpu.memory_space<semaphore_mem>>
      %dma_start3A_399 = arith.constant 0 : i32
      %dma_start3A_400 = tpu.memref_slice %arg4[%add3A_388, %dma_start3A_399] : memref<819200x32xf32, #tpu.memory_space<hbm>> -> memref<640x32xf32, #tpu.memory_space<hbm>>
      %dma_start3A_401 = arith.constant 0 : i32
      %dma_start3A_402 = arith.constant 0 : i32
      %dma_start3A_403 = tpu.memref_slice %arg7[%dma_start3A_389, %dma_start3A_401, %dma_start3A_402] : memref<4x640x32xf32, #tpu.memory_space<vmem>> -> memref<1x640x32xf32, #tpu.memory_space<vmem>>
      %dma_start3A_404 = tpu.memref_squeeze %dma_start3A_403 : memref<1x640x32xf32, #tpu.memory_space<vmem>> -> memref<640x32xf32, #tpu.memory_space<vmem>>
      tpu.enqueue_dma source(%dma_start3A_404 : memref<640x32xf32, #tpu.memory_space<vmem>>) target(%dma_start3A_400 : memref<640x32xf32, #tpu.memory_space<hbm>>) target_semaphore(%dma_start3A_398 : memref<!tpu.dma_semaphore, #tpu.memory_space<semaphore_mem>>)
      %add3A_405 = arith.constant 2 : i32
      %add3A_406 = arith.addi %add3A_268, %add3A_405 : i32
      %dma_wait3A_407 = arith.constant 2 : i32
      %dma_wait3A_408 = arith.constant 2 : i32
      %dma_wait3A_409 = arith.constant 0 : i32
      %dma_wait3A_410 = arith.constant 0 : i32
      %dma_wait3A_411 = tpu.memref_slice %arg7[%dma_wait3A_407, %dma_wait3A_409, %dma_wait3A_410] : memref<4x640x32xf32, #tpu.memory_space<vmem>> -> memref<1x640x32xf32, #tpu.memory_space<vmem>>
      %dma_wait3A_412 = tpu.memref_squeeze %dma_wait3A_411 : memref<1x640x32xf32, #tpu.memory_space<vmem>> -> memref<640x32xf32, #tpu.memory_space<vmem>>
      %dma_wait3A_413 = arith.constant 0 : i32
      %dma_wait3A_414 = tpu.memref_slice %arg4[%mul3A_2, %dma_wait3A_413] : memref<819200x32xf32, #tpu.memory_space<hbm>> -> memref<640x32xf32, #tpu.memory_space<hbm>>
      %dma_wait3A_415 = tpu.memref_slice %arg9[%dma_wait3A_408] : memref<4x!tpu.dma_semaphore, #tpu.memory_space<semaphore_mem>> -> memref<1x!tpu.dma_semaphore, #tpu.memory_space<semaphore_mem>>
      %dma_wait3A_416 = tpu.memref_squeeze %dma_wait3A_415 : memref<1x!tpu.dma_semaphore, #tpu.memory_space<semaphore_mem>> -> memref<!tpu.dma_semaphore, #tpu.memory_space<semaphore_mem>>
      %dma_wait3A_417 = arith.constant 0 : i32
      %dma_wait3A_418 = tpu.memref_slice %arg4[%mul3A_2, %dma_wait3A_417] : memref<819200x32xf32, #tpu.memory_space<hbm>> -> memref<640x32xf32, #tpu.memory_space<hbm>>
      %dma_wait3A_419 = arith.constant 0 : i32
      %dma_wait3A_420 = arith.constant 0 : i32
      %dma_wait3A_421 = tpu.memref_slice %arg7[%dma_wait3A_407, %dma_wait3A_419, %dma_wait3A_420] : memref<4x640x32xf32, #tpu.memory_space<vmem>> -> memref<1x640x32xf32, #tpu.memory_space<vmem>>
      %dma_wait3A_422 = tpu.memref_squeeze %dma_wait3A_421 : memref<1x640x32xf32, #tpu.memory_space<vmem>> -> memref<640x32xf32, #tpu.memory_space<vmem>>
      tpu.wait_dma2 semaphore(%dma_wait3A_416 : memref<!tpu.dma_semaphore, #tpu.memory_space<semaphore_mem>>) src(%dma_wait3A_422 : memref<640x32xf32, #tpu.memory_space<vmem>>) dst(%dma_wait3A_418 : memref<640x32xf32, #tpu.memory_space<hbm>>)
      %add3A_423 = arith.constant 2 : i32
      %add3A_424 = arith.addi %add3A_406, %add3A_423 : i32
      %dma_start3A_425 = arith.constant 2 : i32
      %dma_start3A_426 = arith.constant 2 : i32
      %dma_start3A_427 = arith.constant 0 : i32
      %dma_start3A_428 = arith.constant 0 : i32
      %dma_start3A_429 = tpu.memref_slice %arg7[%dma_start3A_425, %dma_start3A_427, %dma_start3A_428] : memref<4x640x32xf32, #tpu.memory_space<vmem>> -> memref<1x640x32xf32, #tpu.memory_space<vmem>>
      %dma_start3A_430 = tpu.memref_squeeze %dma_start3A_429 : memref<1x640x32xf32, #tpu.memory_space<vmem>> -> memref<640x32xf32, #tpu.memory_space<vmem>>
      %dma_start3A_431 = arith.constant 0 : i32
      %dma_start3A_432 = tpu.memref_slice %arg6[%add3A_424, %dma_start3A_431] : memref<40x640xi32, #tpu.memory_space<vmem>> -> memref<1x640xi32, #tpu.memory_space<vmem>>
      %dma_start3A_433 = tpu.memref_squeeze %dma_start3A_432 : memref<1x640xi32, #tpu.memory_space<vmem>> -> memref<640xi32, #tpu.memory_space<vmem>>
      %dma_start3A_434 = arith.constant 0 : i32
      %dma_start3A_435 = arith.constant 0 : i32
      %dma_start3A_436 = tpu.memref_slice %arg5[%dma_start3A_434, %dma_start3A_435] : memref<1000x32xf32, #tpu.memory_space<vmem_shared>> -> memref<1000x32xf32, #tpu.memory_space<vmem_shared>>
      %dma_start3A_437 = tpu.memref_slice %arg8[%dma_start3A_426] : memref<4x!tpu.dma_semaphore, #tpu.memory_space<semaphore_mem>> -> memref<1x!tpu.dma_semaphore, #tpu.memory_space<semaphore_mem>>
      %dma_start3A_438 = tpu.memref_squeeze %dma_start3A_437 : memref<1x!tpu.dma_semaphore, #tpu.memory_space<semaphore_mem>> -> memref<!tpu.dma_semaphore, #tpu.memory_space<semaphore_mem>>
      tpu.enqueue_indirect_dma source(%dma_start3A_436 : memref<1000x32xf32, #tpu.memory_space<vmem_shared>>) target(%dma_start3A_430 : memref<640x32xf32, #tpu.memory_space<vmem>>) offsets(%dma_start3A_433 : memref<640xi32, #tpu.memory_space<vmem>>) semaphore(%dma_start3A_438 : memref<!tpu.dma_semaphore, #tpu.memory_space<semaphore_mem>>)
      %dma_wait3A_439 = arith.constant 0 : i32
      %dma_wait3A_440 = arith.constant 0 : i32
      %dma_wait3A_441 = arith.constant 0 : i32
      %dma_wait3A_442 = arith.constant 0 : i32
      %dma_wait3A_443 = arith.constant 0 : i32
      %dma_wait3A_444 = tpu.memref_slice %arg7[%dma_wait3A_440, %dma_wait3A_442, %dma_wait3A_443] : memref<4x640x32xf32, #tpu.memory_space<vmem>> -> memref<1x640x32xf32, #tpu.memory_space<vmem>>
      %dma_wait3A_445 = tpu.memref_squeeze %dma_wait3A_444 : memref<1x640x32xf32, #tpu.memory_space<vmem>> -> memref<640x32xf32, #tpu.memory_space<vmem>>
      %dma_wait3A_446 = arith.constant 0 : i32
      %dma_wait3A_447 = tpu.memref_slice %arg6[%dma_wait3A_439, %dma_wait3A_446] : memref<40x640xi32, #tpu.memory_space<vmem>> -> memref<1x640xi32, #tpu.memory_space<vmem>>
      %dma_wait3A_448 = tpu.memref_squeeze %dma_wait3A_447 : memref<1x640xi32, #tpu.memory_space<vmem>> -> memref<640xi32, #tpu.memory_space<vmem>>
      %dma_wait3A_449 = arith.constant 0 : i32
      %dma_wait3A_450 = arith.constant 0 : i32
      %dma_wait3A_451 = tpu.memref_slice %arg5[%dma_wait3A_449, %dma_wait3A_450] : memref<1000x32xf32, #tpu.memory_space<vmem_shared>> -> memref<1000x32xf32, #tpu.memory_space<vmem_shared>>
      %dma_wait3A_452 = tpu.memref_slice %arg8[%dma_wait3A_441] : memref<4x!tpu.dma_semaphore, #tpu.memory_space<semaphore_mem>> -> memref<1x!tpu.dma_semaphore, #tpu.memory_space<semaphore_mem>>
      %dma_wait3A_453 = tpu.memref_squeeze %dma_wait3A_452 : memref<1x!tpu.dma_semaphore, #tpu.memory_space<semaphore_mem>> -> memref<!tpu.dma_semaphore, #tpu.memory_space<semaphore_mem>>
      tpu.wait_indirect_dma semaphore(%dma_wait3A_453 : memref<!tpu.dma_semaphore, #tpu.memory_space<semaphore_mem>>) src(%dma_wait3A_451 : memref<1000x32xf32, #tpu.memory_space<vmem_shared>>) dst(%dma_wait3A_445 : memref<640x32xf32, #tpu.memory_space<vmem>>)
      %mul3A_454 = arith.constant 640 : i32
      %mul3A_455 = arith.muli %add3A_406, %mul3A_454 : i32
      %add3A_456 = arith.addi %mul3A_2, %mul3A_455 : i32
      %dma_start3A_457 = arith.constant 0 : i32
      %dma_start3A_458 = arith.constant 0 : i32
      %dma_start3A_459 = arith.constant 0 : i32
      %dma_start3A_460 = arith.constant 0 : i32
      %dma_start3A_461 = tpu.memref_slice %arg7[%dma_start3A_457, %dma_start3A_459, %dma_start3A_460] : memref<4x640x32xf32, #tpu.memory_space<vmem>> -> memref<1x640x32xf32, #tpu.memory_space<vmem>>
      %dma_start3A_462 = tpu.memref_squeeze %dma_start3A_461 : memref<1x640x32xf32, #tpu.memory_space<vmem>> -> memref<640x32xf32, #tpu.memory_space<vmem>>
      %dma_start3A_463 = arith.constant 0 : i32
      %dma_start3A_464 = tpu.memref_slice %arg4[%add3A_456, %dma_start3A_463] : memref<819200x32xf32, #tpu.memory_space<hbm>> -> memref<640x32xf32, #tpu.memory_space<hbm>>
      %dma_start3A_465 = tpu.memref_slice %arg9[%dma_start3A_458] : memref<4x!tpu.dma_semaphore, #tpu.memory_space<semaphore_mem>> -> memref<1x!tpu.dma_semaphore, #tpu.memory_space<semaphore_mem>>
      %dma_start3A_466 = tpu.memref_squeeze %dma_start3A_465 : memref<1x!tpu.dma_semaphore, #tpu.memory_space<semaphore_mem>> -> memref<!tpu.dma_semaphore, #tpu.memory_space<semaphore_mem>>
      %dma_start3A_467 = arith.constant 0 : i32
      %dma_start3A_468 = tpu.memref_slice %arg4[%add3A_456, %dma_start3A_467] : memref<819200x32xf32, #tpu.memory_space<hbm>> -> memref<640x32xf32, #tpu.memory_space<hbm>>
      %dma_start3A_469 = arith.constant 0 : i32
      %dma_start3A_470 = arith.constant 0 : i32
      %dma_start3A_471 = tpu.memref_slice %arg7[%dma_start3A_457, %dma_start3A_469, %dma_start3A_470] : memref<4x640x32xf32, #tpu.memory_space<vmem>> -> memref<1x640x32xf32, #tpu.memory_space<vmem>>
      %dma_start3A_472 = tpu.memref_squeeze %dma_start3A_471 : memref<1x640x32xf32, #tpu.memory_space<vmem>> -> memref<640x32xf32, #tpu.memory_space<vmem>>
      tpu.enqueue_dma source(%dma_start3A_472 : memref<640x32xf32, #tpu.memory_space<vmem>>) target(%dma_start3A_468 : memref<640x32xf32, #tpu.memory_space<hbm>>) target_semaphore(%dma_start3A_466 : memref<!tpu.dma_semaphore, #tpu.memory_space<semaphore_mem>>)
      %add3A_473 = arith.constant 3 : i32
      %add3A_474 = arith.addi %add3A_268, %add3A_473 : i32
      %dma_wait3A_475 = arith.constant 3 : i32
      %dma_wait3A_476 = arith.constant 3 : i32
      %dma_wait3A_477 = arith.constant 0 : i32
      %dma_wait3A_478 = arith.constant 0 : i32
      %dma_wait3A_479 = tpu.memref_slice %arg7[%dma_wait3A_475, %dma_wait3A_477, %dma_wait3A_478] : memref<4x640x32xf32, #tpu.memory_space<vmem>> -> memref<1x640x32xf32, #tpu.memory_space<vmem>>
      %dma_wait3A_480 = tpu.memref_squeeze %dma_wait3A_479 : memref<1x640x32xf32, #tpu.memory_space<vmem>> -> memref<640x32xf32, #tpu.memory_space<vmem>>
      %dma_wait3A_481 = arith.constant 0 : i32
      %dma_wait3A_482 = tpu.memref_slice %arg4[%mul3A_2, %dma_wait3A_481] : memref<819200x32xf32, #tpu.memory_space<hbm>> -> memref<640x32xf32, #tpu.memory_space<hbm>>
      %dma_wait3A_483 = tpu.memref_slice %arg9[%dma_wait3A_476] : memref<4x!tpu.dma_semaphore, #tpu.memory_space<semaphore_mem>> -> memref<1x!tpu.dma_semaphore, #tpu.memory_space<semaphore_mem>>
      %dma_wait3A_484 = tpu.memref_squeeze %dma_wait3A_483 : memref<1x!tpu.dma_semaphore, #tpu.memory_space<semaphore_mem>> -> memref<!tpu.dma_semaphore, #tpu.memory_space<semaphore_mem>>
      %dma_wait3A_485 = arith.constant 0 : i32
      %dma_wait3A_486 = tpu.memref_slice %arg4[%mul3A_2, %dma_wait3A_485] : memref<819200x32xf32, #tpu.memory_space<hbm>> -> memref<640x32xf32, #tpu.memory_space<hbm>>
      %dma_wait3A_487 = arith.constant 0 : i32
      %dma_wait3A_488 = arith.constant 0 : i32
      %dma_wait3A_489 = tpu.memref_slice %arg7[%dma_wait3A_475, %dma_wait3A_487, %dma_wait3A_488] : memref<4x640x32xf32, #tpu.memory_space<vmem>> -> memref<1x640x32xf32, #tpu.memory_space<vmem>>
      %dma_wait3A_490 = tpu.memref_squeeze %dma_wait3A_489 : memref<1x640x32xf32, #tpu.memory_space<vmem>> -> memref<640x32xf32, #tpu.memory_space<vmem>>
      tpu.wait_dma2 semaphore(%dma_wait3A_484 : memref<!tpu.dma_semaphore, #tpu.memory_space<semaphore_mem>>) src(%dma_wait3A_490 : memref<640x32xf32, #tpu.memory_space<vmem>>) dst(%dma_wait3A_486 : memref<640x32xf32, #tpu.memory_space<hbm>>)
      %add3A_491 = arith.constant 2 : i32
      %add3A_492 = arith.addi %add3A_474, %add3A_491 : i32
      %dma_start3A_493 = arith.constant 3 : i32
      %dma_start3A_494 = arith.constant 3 : i32
      %dma_start3A_495 = arith.constant 0 : i32
      %dma_start3A_496 = arith.constant 0 : i32
      %dma_start3A_497 = tpu.memref_slice %arg7[%dma_start3A_493, %dma_start3A_495, %dma_start3A_496] : memref<4x640x32xf32, #tpu.memory_space<vmem>> -> memref<1x640x32xf32, #tpu.memory_space<vmem>>
      %dma_start3A_498 = tpu.memref_squeeze %dma_start3A_497 : memref<1x640x32xf32, #tpu.memory_space<vmem>> -> memref<640x32xf32, #tpu.memory_space<vmem>>
      %dma_start3A_499 = arith.constant 0 : i32
      %dma_start3A_500 = tpu.memref_slice %arg6[%add3A_492, %dma_start3A_499] : memref<40x640xi32, #tpu.memory_space<vmem>> -> memref<1x640xi32, #tpu.memory_space<vmem>>
      %dma_start3A_501 = tpu.memref_squeeze %dma_start3A_500 : memref<1x640xi32, #tpu.memory_space<vmem>> -> memref<640xi32, #tpu.memory_space<vmem>>
      %dma_start3A_502 = arith.constant 0 : i32
      %dma_start3A_503 = arith.constant 0 : i32
      %dma_start3A_504 = tpu.memref_slice %arg5[%dma_start3A_502, %dma_start3A_503] : memref<1000x32xf32, #tpu.memory_space<vmem_shared>> -> memref<1000x32xf32, #tpu.memory_space<vmem_shared>>
      %dma_start3A_505 = tpu.memref_slice %arg8[%dma_start3A_494] : memref<4x!tpu.dma_semaphore, #tpu.memory_space<semaphore_mem>> -> memref<1x!tpu.dma_semaphore, #tpu.memory_space<semaphore_mem>>
      %dma_start3A_506 = tpu.memref_squeeze %dma_start3A_505 : memref<1x!tpu.dma_semaphore, #tpu.memory_space<semaphore_mem>> -> memref<!tpu.dma_semaphore, #tpu.memory_space<semaphore_mem>>
      tpu.enqueue_indirect_dma source(%dma_start3A_504 : memref<1000x32xf32, #tpu.memory_space<vmem_shared>>) target(%dma_start3A_498 : memref<640x32xf32, #tpu.memory_space<vmem>>) offsets(%dma_start3A_501 : memref<640xi32, #tpu.memory_space<vmem>>) semaphore(%dma_start3A_506 : memref<!tpu.dma_semaphore, #tpu.memory_space<semaphore_mem>>)
      %dma_wait3A_507 = arith.constant 0 : i32
      %dma_wait3A_508 = arith.constant 1 : i32
      %dma_wait3A_509 = arith.constant 1 : i32
      %dma_wait3A_510 = arith.constant 0 : i32
      %dma_wait3A_511 = arith.constant 0 : i32
      %dma_wait3A_512 = tpu.memref_slice %arg7[%dma_wait3A_508, %dma_wait3A_510, %dma_wait3A_511] : memref<4x640x32xf32, #tpu.memory_space<vmem>> -> memref<1x640x32xf32, #tpu.memory_space<vmem>>
      %dma_wait3A_513 = tpu.memref_squeeze %dma_wait3A_512 : memref<1x640x32xf32, #tpu.memory_space<vmem>> -> memref<640x32xf32, #tpu.memory_space<vmem>>
      %dma_wait3A_514 = arith.constant 0 : i32
      %dma_wait3A_515 = tpu.memref_slice %arg6[%dma_wait3A_507, %dma_wait3A_514] : memref<40x640xi32, #tpu.memory_space<vmem>> -> memref<1x640xi32, #tpu.memory_space<vmem>>
      %dma_wait3A_516 = tpu.memref_squeeze %dma_wait3A_515 : memref<1x640xi32, #tpu.memory_space<vmem>> -> memref<640xi32, #tpu.memory_space<vmem>>
      %dma_wait3A_517 = arith.constant 0 : i32
      %dma_wait3A_518 = arith.constant 0 : i32
      %dma_wait3A_519 = tpu.memref_slice %arg5[%dma_wait3A_517, %dma_wait3A_518] : memref<1000x32xf32, #tpu.memory_space<vmem_shared>> -> memref<1000x32xf32, #tpu.memory_space<vmem_shared>>
      %dma_wait3A_520 = tpu.memref_slice %arg8[%dma_wait3A_509] : memref<4x!tpu.dma_semaphore, #tpu.memory_space<semaphore_mem>> -> memref<1x!tpu.dma_semaphore, #tpu.memory_space<semaphore_mem>>
      %dma_wait3A_521 = tpu.memref_squeeze %dma_wait3A_520 : memref<1x!tpu.dma_semaphore, #tpu.memory_space<semaphore_mem>> -> memref<!tpu.dma_semaphore, #tpu.memory_space<semaphore_mem>>
      tpu.wait_indirect_dma semaphore(%dma_wait3A_521 : memref<!tpu.dma_semaphore, #tpu.memory_space<semaphore_mem>>) src(%dma_wait3A_519 : memref<1000x32xf32, #tpu.memory_space<vmem_shared>>) dst(%dma_wait3A_513 : memref<640x32xf32, #tpu.memory_space<vmem>>)
      %mul3A_522 = arith.constant 640 : i32
      %mul3A_523 = arith.muli %add3A_474, %mul3A_522 : i32
      %add3A_524 = arith.addi %mul3A_2, %mul3A_523 : i32
      %dma_start3A_525 = arith.constant 1 : i32
      %dma_start3A_526 = arith.constant 1 : i32
      %dma_start3A_527 = arith.constant 0 : i32
      %dma_start3A_528 = arith.constant 0 : i32
      %dma_start3A_529 = tpu.memref_slice %arg7[%dma_start3A_525, %dma_start3A_527, %dma_start3A_528] : memref<4x640x32xf32, #tpu.memory_space<vmem>> -> memref<1x640x32xf32, #tpu.memory_space<vmem>>
      %dma_start3A_530 = tpu.memref_squeeze %dma_start3A_529 : memref<1x640x32xf32, #tpu.memory_space<vmem>> -> memref<640x32xf32, #tpu.memory_space<vmem>>
      %dma_start3A_531 = arith.constant 0 : i32
      %dma_start3A_532 = tpu.memref_slice %arg4[%add3A_524, %dma_start3A_531] : memref<819200x32xf32, #tpu.memory_space<hbm>> -> memref<640x32xf32, #tpu.memory_space<hbm>>
      %dma_start3A_533 = tpu.memref_slice %arg9[%dma_start3A_526] : memref<4x!tpu.dma_semaphore, #tpu.memory_space<semaphore_mem>> -> memref<1x!tpu.dma_semaphore, #tpu.memory_space<semaphore_mem>>
      %dma_start3A_534 = tpu.memref_squeeze %dma_start3A_533 : memref<1x!tpu.dma_semaphore, #tpu.memory_space<semaphore_mem>> -> memref<!tpu.dma_semaphore, #tpu.memory_space<semaphore_mem>>
      %dma_start3A_535 = arith.constant 0 : i32
      %dma_start3A_536 = tpu.memref_slice %arg4[%add3A_524, %dma_start3A_535] : memref<819200x32xf32, #tpu.memory_space<hbm>> -> memref<640x32xf32, #tpu.memory_space<hbm>>
      %dma_start3A_537 = arith.constant 0 : i32
      %dma_start3A_538 = arith.constant 0 : i32
      %dma_start3A_539 = tpu.memref_slice %arg7[%dma_start3A_525, %dma_start3A_537, %dma_start3A_538] : memref<4x640x32xf32, #tpu.memory_space<vmem>> -> memref<1x640x32xf32, #tpu.memory_space<vmem>>
      %dma_start3A_540 = tpu.memref_squeeze %dma_start3A_539 : memref<1x640x32xf32, #tpu.memory_space<vmem>> -> memref<640x32xf32, #tpu.memory_space<vmem>>
      tpu.enqueue_dma source(%dma_start3A_540 : memref<640x32xf32, #tpu.memory_space<vmem>>) target(%dma_start3A_536 : memref<640x32xf32, #tpu.memory_space<hbm>>) target_semaphore(%dma_start3A_534 : memref<!tpu.dma_semaphore, #tpu.memory_space<semaphore_mem>>)
    }
    %scan3A_133 = arith.constant 9 : i32
    %dma_wait3A_134 = arith.constant 0 : i32
    %dma_wait3A_135 = arith.constant 2 : i32
    %dma_wait3A_136 = arith.constant 2 : i32
    %dma_wait3A_137 = arith.constant 0 : i32
    %dma_wait3A_138 = arith.constant 0 : i32
    %dma_wait3A_139 = tpu.memref_slice %arg7[%dma_wait3A_135, %dma_wait3A_137, %dma_wait3A_138] : memref<4x640x32xf32, #tpu.memory_space<vmem>> -> memref<1x640x32xf32, #tpu.memory_space<vmem>>
    %dma_wait3A_140 = tpu.memref_squeeze %dma_wait3A_139 : memref<1x640x32xf32, #tpu.memory_space<vmem>> -> memref<640x32xf32, #tpu.memory_space<vmem>>
    %dma_wait3A_141 = arith.constant 0 : i32
    %dma_wait3A_142 = tpu.memref_slice %arg6[%dma_wait3A_134, %dma_wait3A_141] : memref<40x640xi32, #tpu.memory_space<vmem>> -> memref<1x640xi32, #tpu.memory_space<vmem>>
    %dma_wait3A_143 = tpu.memref_squeeze %dma_wait3A_142 : memref<1x640xi32, #tpu.memory_space<vmem>> -> memref<640xi32, #tpu.memory_space<vmem>>
    %dma_wait3A_144 = arith.constant 0 : i32
    %dma_wait3A_145 = arith.constant 0 : i32
    %dma_wait3A_146 = tpu.memref_slice %arg5[%dma_wait3A_144, %dma_wait3A_145] : memref<1000x32xf32, #tpu.memory_space<vmem_shared>> -> memref<1000x32xf32, #tpu.memory_space<vmem_shared>>
    %dma_wait3A_147 = tpu.memref_slice %arg8[%dma_wait3A_136] : memref<4x!tpu.dma_semaphore, #tpu.memory_space<semaphore_mem>> -> memref<1x!tpu.dma_semaphore, #tpu.memory_space<semaphore_mem>>
    %dma_wait3A_148 = tpu.memref_squeeze %dma_wait3A_147 : memref<1x!tpu.dma_semaphore, #tpu.memory_space<semaphore_mem>> -> memref<!tpu.dma_semaphore, #tpu.memory_space<semaphore_mem>>
    tpu.wait_indirect_dma semaphore(%dma_wait3A_148 : memref<!tpu.dma_semaphore, #tpu.memory_space<semaphore_mem>>) src(%dma_wait3A_146 : memref<1000x32xf32, #tpu.memory_space<vmem_shared>>) dst(%dma_wait3A_140 : memref<640x32xf32, #tpu.memory_space<vmem>>)
    %add3A_149 = arith.constant 24320 : i32
    %add3A_150 = arith.addi %mul3A_2, %add3A_149 : i32
    %dma_start3A_151 = arith.constant 2 : i32
    %dma_start3A_152 = arith.constant 2 : i32
    %dma_start3A_153 = arith.constant 0 : i32
    %dma_start3A_154 = arith.constant 0 : i32
    %dma_start3A_155 = tpu.memref_slice %arg7[%dma_start3A_151, %dma_start3A_153, %dma_start3A_154] : memref<4x640x32xf32, #tpu.memory_space<vmem>> -> memref<1x640x32xf32, #tpu.memory_space<vmem>>
    %dma_start3A_156 = tpu.memref_squeeze %dma_start3A_155 : memref<1x640x32xf32, #tpu.memory_space<vmem>> -> memref<640x32xf32, #tpu.memory_space<vmem>>
    %dma_start3A_157 = arith.constant 0 : i32
    %dma_start3A_158 = tpu.memref_slice %arg4[%add3A_150, %dma_start3A_157] : memref<819200x32xf32, #tpu.memory_space<hbm>> -> memref<640x32xf32, #tpu.memory_space<hbm>>
    %dma_start3A_159 = tpu.memref_slice %arg9[%dma_start3A_152] : memref<4x!tpu.dma_semaphore, #tpu.memory_space<semaphore_mem>> -> memref<1x!tpu.dma_semaphore, #tpu.memory_space<semaphore_mem>>
    %dma_start3A_160 = tpu.memref_squeeze %dma_start3A_159 : memref<1x!tpu.dma_semaphore, #tpu.memory_space<semaphore_mem>> -> memref<!tpu.dma_semaphore, #tpu.memory_space<semaphore_mem>>
    %dma_start3A_161 = arith.constant 0 : i32
    %dma_start3A_162 = tpu.memref_slice %arg4[%add3A_150, %dma_start3A_161] : memref<819200x32xf32, #tpu.memory_space<hbm>> -> memref<640x32xf32, #tpu.memory_space<hbm>>
    %dma_start3A_163 = arith.constant 0 : i32
    %dma_start3A_164 = arith.constant 0 : i32
    %dma_start3A_165 = tpu.memref_slice %arg7[%dma_start3A_151, %dma_start3A_163, %dma_start3A_164] : memref<4x640x32xf32, #tpu.memory_space<vmem>> -> memref<1x640x32xf32, #tpu.memory_space<vmem>>
    %dma_start3A_166 = tpu.memref_squeeze %dma_start3A_165 : memref<1x640x32xf32, #tpu.memory_space<vmem>> -> memref<640x32xf32, #tpu.memory_space<vmem>>
    tpu.enqueue_dma source(%dma_start3A_166 : memref<640x32xf32, #tpu.memory_space<vmem>>) target(%dma_start3A_162 : memref<640x32xf32, #tpu.memory_space<hbm>>) target_semaphore(%dma_start3A_160 : memref<!tpu.dma_semaphore, #tpu.memory_space<semaphore_mem>>)
    %dma_wait3A_167 = arith.constant 0 : i32
    %dma_wait3A_168 = arith.constant 3 : i32
    %dma_wait3A_169 = arith.constant 3 : i32
    %dma_wait3A_170 = arith.constant 0 : i32
    %dma_wait3A_171 = arith.constant 0 : i32
    %dma_wait3A_172 = tpu.memref_slice %arg7[%dma_wait3A_168, %dma_wait3A_170, %dma_wait3A_171] : memref<4x640x32xf32, #tpu.memory_space<vmem>> -> memref<1x640x32xf32, #tpu.memory_space<vmem>>
    %dma_wait3A_173 = tpu.memref_squeeze %dma_wait3A_172 : memref<1x640x32xf32, #tpu.memory_space<vmem>> -> memref<640x32xf32, #tpu.memory_space<vmem>>
    %dma_wait3A_174 = arith.constant 0 : i32
    %dma_wait3A_175 = tpu.memref_slice %arg6[%dma_wait3A_167, %dma_wait3A_174] : memref<40x640xi32, #tpu.memory_space<vmem>> -> memref<1x640xi32, #tpu.memory_space<vmem>>
    %dma_wait3A_176 = tpu.memref_squeeze %dma_wait3A_175 : memref<1x640xi32, #tpu.memory_space<vmem>> -> memref<640xi32, #tpu.memory_space<vmem>>
    %dma_wait3A_177 = arith.constant 0 : i32
    %dma_wait3A_178 = arith.constant 0 : i32
    %dma_wait3A_179 = tpu.memref_slice %arg5[%dma_wait3A_177, %dma_wait3A_178] : memref<1000x32xf32, #tpu.memory_space<vmem_shared>> -> memref<1000x32xf32, #tpu.memory_space<vmem_shared>>
    %dma_wait3A_180 = tpu.memref_slice %arg8[%dma_wait3A_169] : memref<4x!tpu.dma_semaphore, #tpu.memory_space<semaphore_mem>> -> memref<1x!tpu.dma_semaphore, #tpu.memory_space<semaphore_mem>>
    %dma_wait3A_181 = tpu.memref_squeeze %dma_wait3A_180 : memref<1x!tpu.dma_semaphore, #tpu.memory_space<semaphore_mem>> -> memref<!tpu.dma_semaphore, #tpu.memory_space<semaphore_mem>>
    tpu.wait_indirect_dma semaphore(%dma_wait3A_181 : memref<!tpu.dma_semaphore, #tpu.memory_space<semaphore_mem>>) src(%dma_wait3A_179 : memref<1000x32xf32, #tpu.memory_space<vmem_shared>>) dst(%dma_wait3A_173 : memref<640x32xf32, #tpu.memory_space<vmem>>)
    %add3A_182 = arith.constant 24960 : i32
    %add3A_183 = arith.addi %mul3A_2, %add3A_182 : i32
    %dma_start3A_184 = arith.constant 3 : i32
    %dma_start3A_185 = arith.constant 3 : i32
    %dma_start3A_186 = arith.constant 0 : i32
    %dma_start3A_187 = arith.constant 0 : i32
    %dma_start3A_188 = tpu.memref_slice %arg7[%dma_start3A_184, %dma_start3A_186, %dma_start3A_187] : memref<4x640x32xf32, #tpu.memory_space<vmem>> -> memref<1x640x32xf32, #tpu.memory_space<vmem>>
    %dma_start3A_189 = tpu.memref_squeeze %dma_start3A_188 : memref<1x640x32xf32, #tpu.memory_space<vmem>> -> memref<640x32xf32, #tpu.memory_space<vmem>>
    %dma_start3A_190 = arith.constant 0 : i32
    %dma_start3A_191 = tpu.memref_slice %arg4[%add3A_183, %dma_start3A_190] : memref<819200x32xf32, #tpu.memory_space<hbm>> -> memref<640x32xf32, #tpu.memory_space<hbm>>
    %dma_start3A_192 = tpu.memref_slice %arg9[%dma_start3A_185] : memref<4x!tpu.dma_semaphore, #tpu.memory_space<semaphore_mem>> -> memref<1x!tpu.dma_semaphore, #tpu.memory_space<semaphore_mem>>
    %dma_start3A_193 = tpu.memref_squeeze %dma_start3A_192 : memref<1x!tpu.dma_semaphore, #tpu.memory_space<semaphore_mem>> -> memref<!tpu.dma_semaphore, #tpu.memory_space<semaphore_mem>>
    %dma_start3A_194 = arith.constant 0 : i32
    %dma_start3A_195 = tpu.memref_slice %arg4[%add3A_183, %dma_start3A_194] : memref<819200x32xf32, #tpu.memory_space<hbm>> -> memref<640x32xf32, #tpu.memory_space<hbm>>
    %dma_start3A_196 = arith.constant 0 : i32
    %dma_start3A_197 = arith.constant 0 : i32
    %dma_start3A_198 = tpu.memref_slice %arg7[%dma_start3A_184, %dma_start3A_196, %dma_start3A_197] : memref<4x640x32xf32, #tpu.memory_space<vmem>> -> memref<1x640x32xf32, #tpu.memory_space<vmem>>
    %dma_start3A_199 = tpu.memref_squeeze %dma_start3A_198 : memref<1x640x32xf32, #tpu.memory_space<vmem>> -> memref<640x32xf32, #tpu.memory_space<vmem>>
    tpu.enqueue_dma source(%dma_start3A_199 : memref<640x32xf32, #tpu.memory_space<vmem>>) target(%dma_start3A_195 : memref<640x32xf32, #tpu.memory_space<hbm>>) target_semaphore(%dma_start3A_193 : memref<!tpu.dma_semaphore, #tpu.memory_space<semaphore_mem>>)
    %dma_wait3A_200 = arith.constant 0 : i32
    %dma_wait3A_201 = arith.constant 0 : i32
    %dma_wait3A_202 = arith.constant 0 : i32
    %dma_wait3A_203 = arith.constant 0 : i32
    %dma_wait3A_204 = tpu.memref_slice %arg7[%dma_wait3A_200, %dma_wait3A_202, %dma_wait3A_203] : memref<4x640x32xf32, #tpu.memory_space<vmem>> -> memref<1x640x32xf32, #tpu.memory_space<vmem>>
    %dma_wait3A_205 = tpu.memref_squeeze %dma_wait3A_204 : memref<1x640x32xf32, #tpu.memory_space<vmem>> -> memref<640x32xf32, #tpu.memory_space<vmem>>
    %dma_wait3A_206 = arith.constant 0 : i32
    %dma_wait3A_207 = tpu.memref_slice %arg4[%mul3A_2, %dma_wait3A_206] : memref<819200x32xf32, #tpu.memory_space<hbm>> -> memref<640x32xf32, #tpu.memory_space<hbm>>
    %dma_wait3A_208 = tpu.memref_slice %arg9[%dma_wait3A_201] : memref<4x!tpu.dma_semaphore, #tpu.memory_space<semaphore_mem>> -> memref<1x!tpu.dma_semaphore, #tpu.memory_space<semaphore_mem>>
    %dma_wait3A_209 = tpu.memref_squeeze %dma_wait3A_208 : memref<1x!tpu.dma_semaphore, #tpu.memory_space<semaphore_mem>> -> memref<!tpu.dma_semaphore, #tpu.memory_space<semaphore_mem>>
    %dma_wait3A_210 = arith.constant 0 : i32
    %dma_wait3A_211 = tpu.memref_slice %arg4[%mul3A_2, %dma_wait3A_210] : memref<819200x32xf32, #tpu.memory_space<hbm>> -> memref<640x32xf32, #tpu.memory_space<hbm>>
    %dma_wait3A_212 = arith.constant 0 : i32
    %dma_wait3A_213 = arith.constant 0 : i32
    %dma_wait3A_214 = tpu.memref_slice %arg7[%dma_wait3A_200, %dma_wait3A_212, %dma_wait3A_213] : memref<4x640x32xf32, #tpu.memory_space<vmem>> -> memref<1x640x32xf32, #tpu.memory_space<vmem>>
    %dma_wait3A_215 = tpu.memref_squeeze %dma_wait3A_214 : memref<1x640x32xf32, #tpu.memory_space<vmem>> -> memref<640x32xf32, #tpu.memory_space<vmem>>
    tpu.wait_dma2 semaphore(%dma_wait3A_209 : memref<!tpu.dma_semaphore, #tpu.memory_space<semaphore_mem>>) src(%dma_wait3A_215 : memref<640x32xf32, #tpu.memory_space<vmem>>) dst(%dma_wait3A_211 : memref<640x32xf32, #tpu.memory_space<hbm>>)
    %dma_wait3A_216 = arith.constant 1 : i32
    %dma_wait3A_217 = arith.constant 1 : i32
    %dma_wait3A_218 = arith.constant 0 : i32
    %dma_wait3A_219 = arith.constant 0 : i32
    %dma_wait3A_220 = tpu.memref_slice %arg7[%dma_wait3A_216, %dma_wait3A_218, %dma_wait3A_219] : memref<4x640x32xf32, #tpu.memory_space<vmem>> -> memref<1x640x32xf32, #tpu.memory_space<vmem>>
    %dma_wait3A_221 = tpu.memref_squeeze %dma_wait3A_220 : memref<1x640x32xf32, #tpu.memory_space<vmem>> -> memref<640x32xf32, #tpu.memory_space<vmem>>
    %dma_wait3A_222 = arith.constant 0 : i32
    %dma_wait3A_223 = tpu.memref_slice %arg4[%mul3A_2, %dma_wait3A_222] : memref<819200x32xf32, #tpu.memory_space<hbm>> -> memref<640x32xf32, #tpu.memory_space<hbm>>
    %dma_wait3A_224 = tpu.memref_slice %arg9[%dma_wait3A_217] : memref<4x!tpu.dma_semaphore, #tpu.memory_space<semaphore_mem>> -> memref<1x!tpu.dma_semaphore, #tpu.memory_space<semaphore_mem>>
    %dma_wait3A_225 = tpu.memref_squeeze %dma_wait3A_224 : memref<1x!tpu.dma_semaphore, #tpu.memory_space<semaphore_mem>> -> memref<!tpu.dma_semaphore, #tpu.memory_space<semaphore_mem>>
    %dma_wait3A_226 = arith.constant 0 : i32
    %dma_wait3A_227 = tpu.memref_slice %arg4[%mul3A_2, %dma_wait3A_226] : memref<819200x32xf32, #tpu.memory_space<hbm>> -> memref<640x32xf32, #tpu.memory_space<hbm>>
    %dma_wait3A_228 = arith.constant 0 : i32
    %dma_wait3A_229 = arith.constant 0 : i32
    %dma_wait3A_230 = tpu.memref_slice %arg7[%dma_wait3A_216, %dma_wait3A_228, %dma_wait3A_229] : memref<4x640x32xf32, #tpu.memory_space<vmem>> -> memref<1x640x32xf32, #tpu.memory_space<vmem>>
    %dma_wait3A_231 = tpu.memref_squeeze %dma_wait3A_230 : memref<1x640x32xf32, #tpu.memory_space<vmem>> -> memref<640x32xf32, #tpu.memory_space<vmem>>
    tpu.wait_dma2 semaphore(%dma_wait3A_225 : memref<!tpu.dma_semaphore, #tpu.memory_space<semaphore_mem>>) src(%dma_wait3A_231 : memref<640x32xf32, #tpu.memory_space<vmem>>) dst(%dma_wait3A_227 : memref<640x32xf32, #tpu.memory_space<hbm>>)
    %dma_wait3A_232 = arith.constant 2 : i32
    %dma_wait3A_233 = arith.constant 2 : i32
    %dma_wait3A_234 = arith.constant 0 : i32
    %dma_wait3A_235 = arith.constant 0 : i32
    %dma_wait3A_236 = tpu.memref_slice %arg7[%dma_wait3A_232, %dma_wait3A_234, %dma_wait3A_235] : memref<4x640x32xf32, #tpu.memory_space<vmem>> -> memref<1x640x32xf32, #tpu.memory_space<vmem>>
    %dma_wait3A_237 = tpu.memref_squeeze %dma_wait3A_236 : memref<1x640x32xf32, #tpu.memory_space<vmem>> -> memref<640x32xf32, #tpu.memory_space<vmem>>
    %dma_wait3A_238 = arith.constant 0 : i32
    %dma_wait3A_239 = tpu.memref_slice %arg4[%mul3A_2, %dma_wait3A_238] : memref<819200x32xf32, #tpu.memory_space<hbm>> -> memref<640x32xf32, #tpu.memory_space<hbm>>
    %dma_wait3A_240 = tpu.memref_slice %arg9[%dma_wait3A_233] : memref<4x!tpu.dma_semaphore, #tpu.memory_space<semaphore_mem>> -> memref<1x!tpu.dma_semaphore, #tpu.memory_space<semaphore_mem>>
    %dma_wait3A_241 = tpu.memref_squeeze %dma_wait3A_240 : memref<1x!tpu.dma_semaphore, #tpu.memory_space<semaphore_mem>> -> memref<!tpu.dma_semaphore, #tpu.memory_space<semaphore_mem>>
    %dma_wait3A_242 = arith.constant 0 : i32
    %dma_wait3A_243 = tpu.memref_slice %arg4[%mul3A_2, %dma_wait3A_242] : memref<819200x32xf32, #tpu.memory_space<hbm>> -> memref<640x32xf32, #tpu.memory_space<hbm>>
    %dma_wait3A_244 = arith.constant 0 : i32
    %dma_wait3A_245 = arith.constant 0 : i32
    %dma_wait3A_246 = tpu.memref_slice %arg7[%dma_wait3A_232, %dma_wait3A_244, %dma_wait3A_245] : memref<4x640x32xf32, #tpu.memory_space<vmem>> -> memref<1x640x32xf32, #tpu.memory_space<vmem>>
    %dma_wait3A_247 = tpu.memref_squeeze %dma_wait3A_246 : memref<1x640x32xf32, #tpu.memory_space<vmem>> -> memref<640x32xf32, #tpu.memory_space<vmem>>
    tpu.wait_dma2 semaphore(%dma_wait3A_241 : memref<!tpu.dma_semaphore, #tpu.memory_space<semaphore_mem>>) src(%dma_wait3A_247 : memref<640x32xf32, #tpu.memory_space<vmem>>) dst(%dma_wait3A_243 : memref<640x32xf32, #tpu.memory_space<hbm>>)
    %dma_wait3A_248 = arith.constant 3 : i32
    %dma_wait3A_249 = arith.constant 3 : i32
    %dma_wait3A_250 = arith.constant 0 : i32
    %dma_wait3A_251 = arith.constant 0 : i32
    %dma_wait3A_252 = tpu.memref_slice %arg7[%dma_wait3A_248, %dma_wait3A_250, %dma_wait3A_251] : memref<4x640x32xf32, #tpu.memory_space<vmem>> -> memref<1x640x32xf32, #tpu.memory_space<vmem>>
    %dma_wait3A_253 = tpu.memref_squeeze %dma_wait3A_252 : memref<1x640x32xf32, #tpu.memory_space<vmem>> -> memref<640x32xf32, #tpu.memory_space<vmem>>
    %dma_wait3A_254 = arith.constant 0 : i32
    %dma_wait3A_255 = tpu.memref_slice %arg4[%mul3A_2, %dma_wait3A_254] : memref<819200x32xf32, #tpu.memory_space<hbm>> -> memref<640x32xf32, #tpu.memory_space<hbm>>
    %dma_wait3A_256 = tpu.memref_slice %arg9[%dma_wait3A_249] : memref<4x!tpu.dma_semaphore, #tpu.memory_space<semaphore_mem>> -> memref<1x!tpu.dma_semaphore, #tpu.memory_space<semaphore_mem>>
    %dma_wait3A_257 = tpu.memref_squeeze %dma_wait3A_256 : memref<1x!tpu.dma_semaphore, #tpu.memory_space<semaphore_mem>> -> memref<!tpu.dma_semaphore, #tpu.memory_space<semaphore_mem>>
    %dma_wait3A_258 = arith.constant 0 : i32
    %dma_wait3A_259 = tpu.memref_slice %arg4[%mul3A_2, %dma_wait3A_258] : memref<819200x32xf32, #tpu.memory_space<hbm>> -> memref<640x32xf32, #tpu.memory_space<hbm>>
    %dma_wait3A_260 = arith.constant 0 : i32
    %dma_wait3A_261 = arith.constant 0 : i32
    %dma_wait3A_262 = tpu.memref_slice %arg7[%dma_wait3A_248, %dma_wait3A_260, %dma_wait3A_261] : memref<4x640x32xf32, #tpu.memory_space<vmem>> -> memref<1x640x32xf32, #tpu.memory_space<vmem>>
    %dma_wait3A_263 = tpu.memref_squeeze %dma_wait3A_262 : memref<1x640x32xf32, #tpu.memory_space<vmem>> -> memref<640x32xf32, #tpu.memory_space<vmem>>
    tpu.wait_dma2 semaphore(%dma_wait3A_257 : memref<!tpu.dma_semaphore, #tpu.memory_space<semaphore_mem>>) src(%dma_wait3A_263 : memref<640x32xf32, #tpu.memory_space<vmem>>) dst(%dma_wait3A_259 : memref<640x32xf32, #tpu.memory_space<hbm>>)
    return
  }
}

</mosaic_0001>

<sc_bundles>
// kernel: kernel.3.cloned.1.call-start
scs
__scs_entry_jumppad:
0x0: {  	(pc) =	sbr.rel $0x88, $3  }
0x1: {  	(tag) =	ssettag $0x0;
	lr =	simm.s32 $0x1  }
0x2: {  	[smem:$0x3F9F] =	sst lr;
	_ =	strace $0xD0000000  }
0x3: {  	_ = 	snop  }
0x4: {  	_ = 	snop  }
0x5: {  	_ = 	snop  }
0x6: {  	_ = 	snop  }
0x7: {  	_ = 	snop  }
__scs_overlays_trampoline_lowered:
0x8: {  	[smem:$0x3FAE] =	sst s0  }
0x9: {  	[smem:$0x3FAF] =	sst s1  }
0xa: {  	[smem:$0x3FB0] =	sst s2  }
0xb: {  	[smem:$0x3FB1] =	sst s3  }
0xc: {  	[smem:$0x3FB2] =	sst s4  }
0xd: {  	[smem:$0x3FB3] =	sst s5  }
0xe: {  	[smem:$0x3FB4] =	sst s6  }
0xf: {  	[smem:$0x3FB5] =	sst s7  }
0x10: {  	[smem:$0x3FB6] =	sst s8  }
0x11: {  	[smem:$0x3FB7] =	sst s9;
	s0 =	simm.s32 @!p0 $0x0  }
0x12: {  	s1 =	sld [smem:$0x3F9D];
	s0 =	simm.s32 @p0 $0x1  }
0x13: {  	[smem:$0x3FB8] =	sst s0;
	s0 =	simm.s32 @!p1 $0x0  }
0x14: {  	s2 =	sld [smem:$0x3F9C];
	s0 =	simm.s32 @p1 $0x1  }
0x15: {  	[smem:$0x3FB9] =	sst s0;
	s0 =	simm.s32 @!p2 $0x0  }
0x16: {  	s3 =	sld [smem:$0x3FDB];
	s0 =	simm.s32 @p2 $0x1  }
0x17: {  	s4 =	simm.s32 $0x1BF5;
	[smem:$0x3FBB] =	sst s0  }
0x18: {  	s0 =	sld [smem:$0x3F9E];
	_ =	swait.ge [sflag:s4], $0x0  }
0x19: {  	s7 =	sld [smem:$0x3F9F]  }
0x1a: {  	s8 =	sadd.s32 $0xFFFFE003, lr  }
0x1b: {  	s9 =	sadd.s32 $0xFFFFFEF7, lr;
	s5 =	simm.s32 $0xFFFFFFFF;
	p2 =	slt.u32 s8, $0xFFFFF086  }
0x1c: {  	p1 =	slt.u32 s9, $0xF7A;
	s5 =	simm.s32 @!p2 $0x0  }
0x1d: {  	s5 =	simm.s32 @p1 $0x1;
	p0 =	seq.s32 s7, s2  }
0x1e: {  	s7 =	smul.u32 @!p0 $0xF7A, s2;
	p2 =	seq.s32 @!p0 s5, $0x0  }
0x1f: {  	s9 =	smul.u32 $0xF7A, s1;
	s8 =	simm.s32 @!p0 $0x1BF5;
	p2 =	por !p2, p0  }
0x20: {  	[sflag:s8] =	ssyncset.s32 @!p0 $0xFFFFF086;
	s6 =	sadd.s32 @!p0 s3, s7;
	s7 =	simm.s32 @!p0 $0x108  }
0x21: {  	s3 =	sadd.s32 s3, s9;
	s6 =	sadd.s32 @!p0 $0x88, s6;
	s7 =	simm.s32 @p2 $0x1082  }
0x22: {  	[simem:s7], [sflag:s8] =	dma.local @!p0 [hbm:s6], $0xF7A  }
0x23: {  	s9 =	sor.u32 $0xD0000000, s2;
	s6 =	simm.s32 $0x108;
	_ =	swait.ge @!p0 [sflag:s8], $0x0  }
0x24: {  	s3 =	sadd.s32 $0x88, s3;
	s6 =	simm.s32 @!p1 $0x1082;
	[sflag:s4] =	ssyncset.s32 $0xFFFFF086  }
0x25: {  	[simem:s6], [sflag:s4] =	dma.local [hbm:s3], $0xF7A  }
0x26: {  	[smem:$0x3F9F] =	sst s1;
	(tag) =	ssettag s2;
	_ =	strace s9  }
0x27: {  	s1 =	sld [smem:$0x3FAF]  }
0x28: {  	s2 =	sld [smem:$0x3FB0]  }
0x29: {  	s4 =	sld [smem:$0x3FB2]  }
0x2a: {  	p0 =	seq.s32 s5, $0x0;
	s5 =	sld [smem:$0x3FB3]  }
0x2b: {  	s6 =	sld [smem:$0x3FB4]  }
0x2c: {  	s7 =	sld [smem:$0x3FB5]  }
0x2d: {  	s3 =	simm.s32 $0x108;
	s8 =	sld [smem:$0x3FB6]  }
0x2e: {  	s3 =	simm.s32 @!p0 $0x1082;
	s9 =	sld [smem:$0x3FB7]  }
0x2f: {  	lr =	sadd.s32 s0, s3;
	s0 =	sld [smem:$0x3FAE]  }
0x30: {  	s3 =	sld [smem:$0x3FB1]  }
0x31: {  	[smem:$0x3FBA] =	sst s10  }
0x32: {  	s10 =	sld [smem:$0x3FB8];
	_ =	sdelay $0x3  }
0x33: {  	p0 =	seq.s32 s10, $0x1;
	s10 =	sld [smem:$0x3FBA];
	_ =	sdelay $0x3  }
0x34: {  	[smem:$0x3FBA] =	sst s10  }
0x35: {  	s10 =	sld [smem:$0x3FB9];
	_ =	sdelay $0x3  }
0x36: {  	p1 =	seq.s32 s10, $0x1;
	s10 =	sld [smem:$0x3FBA];
	_ =	sdelay $0x3  }
0x37: {  	[smem:$0x3FBA] =	sst s10  }
0x38: {  	s10 =	sld [smem:$0x3FBB]  }
0x39: {  	_ = 	snop;
	(pc) =	sbr.ind lr, $3  }
0x3a: {  	_ = 	snop  }
0x3b: {  	_ = 	snop  }
0x3c: {  	p2 =	seq.s32 s10, $0x1;
	s10 =	sld [smem:$0x3FBA]  }
0x3d: {  	_ =	shalt  }
0x3e: {  	_ =	shalt  }
0x3f: {  	_ =	shalt  }
0x40: {  	_ =	shalt  }
0x41: {  	_ =	shalt  }
0x42: {  	_ =	shalt  }
0x43: {  	_ =	shalt  }
0x44: {  	_ =	shalt  }
0x45: {  	_ =	shalt  }
0x46: {  	_ =	shalt  }
0x47: {  	_ =	shalt  }
0x48: {  	_ =	shalt  }
0x49: {  	_ =	shalt  }
0x4a: {  	_ =	shalt  }
0x4b: {  	_ =	shalt  }
0x4c: {  	_ =	shalt  }
0x4d: {  	_ =	shalt  }
0x4e: {  	_ =	shalt  }
0x4f: {  	_ =	shalt  }
0x50: {  	_ =	shalt  }
0x51: {  	_ =	shalt  }
0x52: {  	_ =	shalt  }
0x53: {  	_ =	shalt  }
0x54: {  	_ =	shalt  }
0x55: {  	_ =	shalt  }
0x56: {  	_ =	shalt  }
0x57: {  	_ =	shalt  }
0x58: {  	_ =	shalt  }
0x59: {  	_ =	shalt  }
0x5a: {  	_ =	shalt  }
0x5b: {  	_ =	shalt  }
0x5c: {  	_ =	shalt  }
0x5d: {  	_ =	shalt  }
0x5e: {  	_ =	shalt  }
0x5f: {  	_ =	shalt  }
0x60: {  	_ =	shalt  }
0x61: {  	_ =	shalt  }
0x62: {  	_ =	shalt  }
0x63: {  	_ =	shalt  }
0x64: {  	_ =	shalt  }
0x65: {  	_ =	shalt  }
0x66: {  	_ =	shalt  }
0x67: {  	_ =	shalt  }
0x68: {  	_ =	shalt  }
0x69: {  	_ =	shalt  }
0x6a: {  	_ =	shalt  }
0x6b: {  	_ =	shalt  }
0x6c: {  	_ =	shalt  }
0x6d: {  	_ =	shalt  }
0x6e: {  	_ =	shalt  }
0x6f: {  	_ =	shalt  }
0x70: {  	_ =	shalt  }
0x71: {  	_ =	shalt  }
0x72: {  	_ =	shalt  }
0x73: {  	_ =	shalt  }
0x74: {  	_ =	shalt  }
0x75: {  	_ =	shalt  }
0x76: {  	_ =	shalt  }
0x77: {  	_ =	shalt  }
0x78: {  	_ =	shalt  }
0x79: {  	_ =	shalt  }
0x7a: {  	_ =	shalt  }
0x7b: {  	_ =	shalt  }
0x7c: {  	_ =	shalt  }
0x7d: {  	_ =	shalt  }
0x7e: {  	_ =	shalt  }
0x7f: {  	_ =	shalt  }
0x80: {  	_ =	shalt  }
0x81: {  	_ =	shalt  }
0x82: {  	_ =	shalt  }
0x83: {  	_ =	shalt  }
0x84: {  	_ =	shalt  }
0x85: {  	_ =	shalt  }
0x86: {  	_ =	shalt  }
0x87: {  	_ =	shalt  }
.Lfunc_end0:
.L_simem_size_0:
called_computation.1_lowered:
.L_overlay_start_0:
0x88: {  	s2 =	sld [smem:$0x3FD9]  }
0x89: {  	s3 =	sld [smem:$0x3FFE];
	_ =	sdelay $0x1  }
0x8a: {  	s1 =	srdreg.scid  }
0x8b: {  	s0 =	sand.u32 $0x1, s1  }
0x8c: {  	s17 =	sshll.u32 s0, $0xA;
	s2 =	sadd.s32 s3, s2  }
0x8d: {  	s2 =	sadd.s32 s2, s17  }
0x8e: {  	[smem:$0x3FC6] =	sst s2  }
0x8f: {  	_ = 	snop  }
0x90: {  	s2 =	sld [smem:$0x3FD0];
	(tm) =	ssettm $0x1  }
0x91: {  	s18 =	sld [smem:$0x3FFB];
	_ =	sdelay $0x3  }
0x92: {  	_ =	strace s18  }
0x93: {  	s3 =	sld [smem:$0x3FFC];
	_ =	sdelay $0x3  }
0x94: {  	_ =	strace s3  }
0x95: {  	s3 =	sld [smem:$0x3FFD];
	_ =	sdelay $0x3  }
0x96: {  	_ =	strace s3  }
0x97: {  	_ =	strace $0x8FFFFFFF  }
0x98: {  	s19 =	sld [smem:$0x3FDB];
	_ =	sdelay $0x1  }
0x99: {  	s4 =	simm.s32 $_scs_section_size  }
0x9a: {  	s5 =	simm.s32 $_size__tile_overlayer_lowered;
	s6 =	simm.s32 $_tile_overlayer_lowered  }
0x9b: {  	s22 =	simm.s32 $0x1BFF;
	s21 =	sshll.u32 s6, $0x1;
	s3 =	sadd.s32 s4, s19  }
0x9c: {  	s7 =	simm.s32 $0x0;
	s20 =	sshll.u32 s5, $0x1;
	s5 =	sadd.s32 s21, s3  }
0x9d: {  	[timem:s7], [sflag:s22] =	dma.local [hbm:s5], s20  }
0x9e: {  	_ =	swait.ge [sflag:s22], s20  }
0x9f: {  	s4 =	ssub.s32 $0x0, s20;
	[sflag:s22] =	ssyncset.done $0x0  }
0xa0: {  	[sflag:s22] =	ssyncadd.s32 s4;
	_ =	sdelay $0x1  }
0xa1: {  	s23 =	simm.s32 $0x1B8B  }
0xa2: {  	_ =	swait.ge [sflag:s23], $0x1  }
0xa3: {  	[sflag:s23] =	ssyncset.done $0x0  }
0xa4: {  	s25 =	simm.s32 $0x1B8E;
	s24 =	sld [smem:$0x3FFE];
	[sflag:s23] =	ssyncadd.s32 $0xFFFFFFFF  }
0xa5: {  	s26 =	simm.s32 $execute0_lowered;
	[smem:$0x3FD2] =	sst s25  }
0xa6: {  	s5 =	sshll.u32 s26, $0x1;
	_ =	strace $0x80000046;
	[dreg:$0x1] =	wrdreg $0xFFFFFFFF  }
0xa7: {  	s28 =	simm.s32 $_size_execute0_lowered;
	s3 =	sadd.s32 s3, s5;
	[dreg:$0x0] =	wrdreg $0x0  }
0xa8: {  	s5 =	sshll.u32 s28, $0x1;
	[dreg:$0x2] =	wrdreg s3  }
0xa9: {  	[dreg:$0x3] =	wrdreg s5  }
0xaa: {  	[dreg:$0x4] =	wrdreg $0xC0  }
0xab: {  	_ =	task [dreg:s7], $0x5FFFF  }
0xac: {  	[dreg:$0x1] =	wrdreg $0xFFFFFFFF  }
0xad: {  	[dreg:$0x0] =	wrdreg $0x60  }
0xae: {  	[dreg:$0x2] =	wrdreg s24  }
0xaf: {  	[dreg:$0x3] =	wrdreg s2  }
0xb0: {  	[dreg:$0x4] =	wrdreg $0x0  }
0xb1: {  	[dreg:$0x5] =	wrdreg $0x9  }
0xb2: {  	_ =	task.clear_ibuf [dreg:s7], $0x6FFFF;
	_ =	strace $0x90000046  }
0xb3: {  	s29 =	simm.s32 $0x9;
	_ =	strace $0x80000048  }
0xb4: {  	_ =	swait.ge [sflag:s29], $0x1  }
0xb5: {  	[sflag:s29] =	ssyncadd.s32 $0xFFFFFFFF  }
0xb6: {  	_ =	strace $0x90000048  }
0xb7: {  	_ =	sfence  }
0xb8: {  	s30 =	sld [smem:$0x0];
	_ =	sdelay $0x2  }
0xb9: {  	s31 =	sshll.u32 s1, $0xD;
	s1 =	sshrl.u32 s1, $0x2  }
0xba: {  	s3 =	sand.u32 $0x4000, s31;
	s1 =	sadd.s32 s1, s30  }
0xbb: {  	s0 =	sor.u32 s3, s0;
	s1 =	sshll.u32 s1, $0x11  }
0xbc: {  	s0 =	sor.u32 s1, s0  }
0xbd: {  	s0 =	sadd.s32 $0x8F2B, s0  }
0xbe: {  	[sflag:s0] =	ssyncadd.remote.s32 $0x1  }
0xbf: {  	_ =	sfence.sel $0xFFFF  }
0xc0: {  	[dreg:$0x0] =	wrdreg $0xFFFFFFFF;
	(pc) =	sbr.abs _section_cstart, $3  }
0xc1: {  	[dreg:$0x1] =	wrdreg $0xFFFFFFFF  }
0xc2: {  	_ =	task.clear_ibuf [dreg:s7], $0x2FFFF;
	_ =	strace $0x9FFFFFFF  }
0xc3: {  	(tm) =	ssettm $0x7FFFFFFF  }
tec
execute0_lowered:
.L_overlay_start_1:
0x0: {  	(tag) =	ssettag $0x1  }
0x1: {  	s0 =	rddreg [dreg:$0x0]  }
0x2: {  	s3 =	rddreg [dreg:$0x1]  }
0x3: {  	s2 =	srdreg.scid;
	s13 =	stileid.u32  }
0x4: {  	s1 =	rddreg [dreg:$0x2];
	s15 =	simm.s32 $0x7D0;
	s16 =	simm.s32 $0x9  }
0x5: {  	s17 =	simm.s32 $0x280;
	s18 =	simm.s32 $0x6BD0;
	s20 =	simm.s32 $0xBBD0  }
0x6: {  	s28 =	simm.s32 $0x5;
	s29 =	simm.s32 $0x3;
	s30 =	simm.s32 $0x6  }
0x7: {  	s31 =	simm.s32 $0x4;
	s19 =	simm.s32 $0x8;
	s21 =	simm.s32 $0x0  }
0x8: {  	s4 =	sand.u32 $0x1, s2;
	s5 =	sshll.u32 s13, $0x1;
	s2 =	simm.s32 $0x0  }
0x9: {  	s8 =	sadd.s32 $0x800, s0;
	s9 =	smul.u32 $0xC800, s13;
	p0 =	sne.s32 s13, $0x0  }
0xa: {  	s5 =	sor.u32 s4, s5;
	[smem:$0x7FF] =	sst s2;
	s11 =	smul.u32 $0x6400, s4  }
0xb: {  	s22 =	ssub.s32 $0x2, s4;
	s14 =	sshrl.u32 @!p0 s1, $0x3;
	s6 =	smul.u32 $0x6400, s5  }
0xc: {  	_ =	strace $0x80000047;
	s7 =	smul.u32 $0xC8000, s5;
	s10 =	sshrl.u32 s22, $0x1  }
0xd: {  	[dreg:$0x4] =	wrdreg s8;
	s5 =	smul.u32 $0x19000, s5;
	s10 =	ssub.s32 s22, s10  }
0xe: {  	s24 =	sadd.s32 s11, s9;
	s22 =	simm.s32 $0x10BD0;
	s6 =	sshrl.u32 s6, $0x3  }
0xf: {  	s23 =	sshrl.u32 s7, $0x3;
	s5 =	sadd.s32 s3, s5;
	s25 =	sshll.u32 s24, $0x2  }
0x10: {  	s9 =	smax.u32 s10, $0x1;
	s0 =	sadd.s32 s6, s0;
	s26 =	sadd.s32 $0xA00, s5  }
0x11: {  	s0 =	sadd.s32 $0x1800, s0;
	[dreg:$0x6] =	wrdreg s26;
	s26 =	simm.s32 $0x2  }
0x12: {  	[dreg:$0x5] =	wrdreg s0;
	s0 =	sadd.s32 s3, s23;
	s3 =	sadd.s32 s3, s25  }
0x13: {  	s23 =	simm.s32 $0x1;
	s25 =	simm.s32 $0x15BD0;
	s7 =	sadd.s32 $0x17C00, s0  }
0x14: {  	s8 =	sadd.s32 $0x18600, s0;
	s10 =	sadd.s32 $0x1E00, s3;
	s11 =	sadd.s32 $0x1400, s3  }
0x15: {  	s12 =	sadd.s32 $0x3200, s3;
	s13 =	sadd.s32 $0x2800, s3;
	s0 =	simm.s32 $0x7  }
.LBB2_1:
0x16: {  	s3 =	simm.s32 @!p0 $0x1C09;
	s4 =	rddreg [dreg:$0x4]  }
0x17: {  	[spmem:s14], [sflag:s3] =	dma.local @!p0 [hbm:s4], $0xFA0  }
0x18: {  	s3 =	simm.s32 @!p0 $0x9  }
0x19: {  	_ =	swait.ge @!p0 [sflag:s3], $0xFA0  }
0x1a: {  	[sflag:s3] =	ssyncset.done @!p0 $0x0  }
0x1b: {  	s4 =	rddreg [dreg:$0x5];
	[sflag:s3] =	ssyncadd.s32 @!p0 $0xFFFFF060  }
0x1c: {  	[tilespmem:s15], [sflag:$0x9] =	stream.linear.gather [hbm4b:s4+s2], $0x6400, $0x38;
	[tilespmem:$0x1ABD0] =	vst v63  }
0x1d: {  	_ =	swait.ge [sflag:s16], $0x6400  }
0x1e: {  	[sflag:s16] =	ssyncset.done $0x0  }
0x1f: {  	[sflag:s16] =	ssyncadd.s32 $0xFFFF9C00  }
0x20: {  	[bflag:$0x0] =	sbarrier.arrive $0xFFFF  }
0x21: {  	[tilespmem:s18], [sflag:$0x1] =	stream.indirect.gather [spmem:s1], $0x20, s15, s17, $0xb8;
	[tilespmem:$0x1ABD0] =	vst v63  }
0x22: {  	s6 =	simm.s32 $0xA50  }
0x23: {  	[tilespmem:s20], [sflag:$0x2] =	stream.indirect.gather [spmem:s1], $0x20, s6, s17, $0xb8;
	[tilespmem:$0x1ABD0] =	vst v63  }
0x24: {  	s24 =	simm.s32 $0xCD0  }
0x25: {  	[tilespmem:s22], [sflag:$0x3] =	stream.indirect.gather [spmem:s1], $0x20, s24, s17, $0xb8;
	[tilespmem:$0x1ABD0] =	vst v63  }
0x26: {  	_ =	swait.ge [sflag:s23], $0x5000  }
0x27: {  	[sflag:s23] =	ssyncset.done $0x0  }
0x28: {  	[sflag:s23] =	ssyncadd.s32 $0xFFFFB000  }
0x29: {  	[hbm4b:s5+s2] =	stream.linear.scatter [tilespmem:s18], [sflag:$0x5], $0x5000, $0x38;
	[tilespmem:$0x1ABD0] =	vst v63  }
0x2a: {  	s4 =	simm.s32 $0xF50  }
0x2b: {  	[tilespmem:s25], [sflag:$0x4] =	stream.indirect.gather [spmem:s1], $0x20, s4, s17, $0xb8;
	[tilespmem:$0x1ABD0] =	vst v63  }
0x2c: {  	_ =	swait.ge [sflag:s26], $0x5000  }
0x2d: {  	[sflag:s26] =	ssyncset.done $0x0  }
0x2e: {  	s6 =	rddreg [dreg:$0x6];
	[sflag:s26] =	ssyncadd.s32 $0xFFFFB000  }
0x2f: {  	[hbm4b:s6+s2] =	stream.linear.scatter [tilespmem:s20], [sflag:$0x6], $0x5000, $0x38;
	[tilespmem:$0x1ABD0] =	vst v63  }
0x30: {  	_ =	swait.ge [sflag:s28], $0x5000  }
0x31: {  	[sflag:s28] =	ssyncset.done $0x0  }
0x32: {  	s24 =	simm.s32 $0x11D0;
	[sflag:s28] =	ssyncadd.s32 $0xFFFFB000  }
0x33: {  	[tilespmem:s18], [sflag:$0x1] =	stream.indirect.gather [spmem:s1], $0x20, s24, s17, $0xb8;
	[tilespmem:$0x1ABD0] =	vst v63  }
0x34: {  	_ =	swait.ge [sflag:s29], $0x5000  }
0x35: {  	[sflag:s29] =	ssyncset.done $0x0  }
0x36: {  	s4 =	sadd.s32 $0x0, s11;
	[sflag:s29] =	ssyncadd.s32 $0xFFFFB000  }
0x37: {  	[hbm4b:s4+s2] =	stream.linear.scatter [tilespmem:s22], [sflag:$0x7], $0x5000, $0x38;
	[tilespmem:$0x1ABD0] =	vst v63  }
0x38: {  	_ =	swait.ge [sflag:s30], $0x5000  }
0x39: {  	[sflag:s30] =	ssyncset.done $0x0  }
0x3a: {  	s6 =	simm.s32 $0x1450;
	[sflag:s30] =	ssyncadd.s32 $0xFFFFB000  }
0x3b: {  	[tilespmem:s20], [sflag:$0x2] =	stream.indirect.gather [spmem:s1], $0x20, s6, s17, $0xb8;
	[tilespmem:$0x1ABD0] =	vst v63  }
0x3c: {  	_ =	swait.ge [sflag:s31], $0x5000  }
0x3d: {  	[sflag:s31] =	ssyncset.done $0x0  }
0x3e: {  	s24 =	sadd.s32 $0x0, s10;
	[sflag:s31] =	ssyncadd.s32 $0xFFFFB000  }
0x3f: {  	[hbm4b:s24+s2] =	stream.linear.scatter [tilespmem:s25], [sflag:$0x8], $0x5000, $0x38;
	[tilespmem:$0x1ABD0] =	vst v63  }
0x40: {  	_ =	swait.ge [sflag:s0], $0x5000  }
0x41: {  	[sflag:s0] =	ssyncset.done $0x0  }
0x42: {  	s4 =	simm.s32 $0x16D0;
	[sflag:s0] =	ssyncadd.s32 $0xFFFFB000  }
0x43: {  	[tilespmem:s22], [sflag:$0x3] =	stream.indirect.gather [spmem:s1], $0x20, s4, s17, $0xb8;
	[tilespmem:$0x1ABD0] =	vst v63  }
0x44: {  	_ =	swait.ge [sflag:s23], $0x5000  }
0x45: {  	[sflag:s23] =	ssyncset.done $0x0  }
0x46: {  	s6 =	sadd.s32 $0x0, s13;
	[sflag:s23] =	ssyncadd.s32 $0xFFFFB000  }
0x47: {  	[hbm4b:s6+s2] =	stream.linear.scatter [tilespmem:s18], [sflag:$0x5], $0x5000, $0x38;
	[tilespmem:$0x1ABD0] =	vst v63  }
0x48: {  	_ =	swait.ge [sflag:s19], $0x5000  }
0x49: {  	[sflag:s19] =	ssyncset.done $0x0  }
0x4a: {  	s24 =	simm.s32 $0x1950;
	[sflag:s19] =	ssyncadd.s32 $0xFFFFB000  }
0x4b: {  	[tilespmem:s25], [sflag:$0x4] =	stream.indirect.gather [spmem:s1], $0x20, s24, s17, $0xb8;
	[tilespmem:$0x1ABD0] =	vst v63  }
0x4c: {  	_ =	swait.ge [sflag:s26], $0x5000  }
0x4d: {  	[sflag:s26] =	ssyncset.done $0x0  }
0x4e: {  	s3 =	sadd.s32 $0x0, s12;
	s24 =	simm.s32 $0x2800;
	[sflag:s26] =	ssyncadd.s32 $0xFFFFB000  }
.LBB2_2:
0x4f: {  	[hbm4b:s3+s2] =	stream.linear.scatter [tilespmem:s20], [sflag:$0x6], $0x5000, $0x38;
	[tilespmem:$0x1ABD0] =	vst v63  }
0x50: {  	s3 =	smov.u32 s24  }
0x51: {  	p1 =	sne.s32 s24, $0x14000;
	s24 =	sadd.s32 $0x2800, s24;
	_ =	swait.ge [sflag:s28], $0x5000  }
0x52: {  	s4 =	sshra.s32 s3, $0x2;
	[sflag:s28] =	ssyncset.done $0x0  }
0x53: {  	s6 =	sadd.s32 $0x11D0, s4;
	[sflag:s28] =	ssyncadd.s32 $0xFFFFB000  }
0x54: {  	[tilespmem:s18], [sflag:$0x1] =	stream.indirect.gather [spmem:s1], $0x20, s6, s17, $0xb8;
	[tilespmem:$0x1ABD0] =	vst v63  }
0x55: {  	_ =	swait.ge [sflag:s29], $0x5000  }
0x56: {  	[sflag:s29] =	ssyncset.done $0x0  }
0x57: {  	s6 =	sadd.s32 s3, s11;
	[sflag:s29] =	ssyncadd.s32 $0xFFFFB000  }
0x58: {  	[hbm4b:s6+s2] =	stream.linear.scatter [tilespmem:s22], [sflag:$0x7], $0x5000, $0x38;
	[tilespmem:$0x1ABD0] =	vst v63  }
0x59: {  	_ =	swait.ge [sflag:s30], $0x5000  }
0x5a: {  	[sflag:s30] =	ssyncset.done $0x0  }
0x5b: {  	s6 =	sadd.s32 $0x1450, s4;
	[sflag:s30] =	ssyncadd.s32 $0xFFFFB000  }
0x5c: {  	[tilespmem:s20], [sflag:$0x2] =	stream.indirect.gather [spmem:s1], $0x20, s6, s17, $0xb8;
	[tilespmem:$0x1ABD0] =	vst v63  }
0x5d: {  	_ =	swait.ge [sflag:s31], $0x5000  }
0x5e: {  	[sflag:s31] =	ssyncset.done $0x0  }
0x5f: {  	s6 =	sadd.s32 s3, s10;
	[sflag:s31] =	ssyncadd.s32 $0xFFFFB000  }
0x60: {  	[hbm4b:s6+s2] =	stream.linear.scatter [tilespmem:s25], [sflag:$0x8], $0x5000, $0x38;
	[tilespmem:$0x1ABD0] =	vst v63  }
0x61: {  	_ =	swait.ge [sflag:s0], $0x5000  }
0x62: {  	[sflag:s0] =	ssyncset.done $0x0  }
0x63: {  	s6 =	sadd.s32 $0x16D0, s4;
	[sflag:s0] =	ssyncadd.s32 $0xFFFFB000  }
0x64: {  	[tilespmem:s22], [sflag:$0x3] =	stream.indirect.gather [spmem:s1], $0x20, s6, s17, $0xb8;
	[tilespmem:$0x1ABD0] =	vst v63  }
0x65: {  	_ =	swait.ge [sflag:s23], $0x5000  }
0x66: {  	[sflag:s23] =	ssyncset.done $0x0  }
0x67: {  	s6 =	sadd.s32 s3, s13;
	[sflag:s23] =	ssyncadd.s32 $0xFFFFB000  }
0x68: {  	[hbm4b:s6+s2] =	stream.linear.scatter [tilespmem:s18], [sflag:$0x5], $0x5000, $0x38;
	[tilespmem:$0x1ABD0] =	vst v63  }
0x69: {  	_ =	swait.ge [sflag:s19], $0x5000  }
0x6a: {  	[sflag:s19] =	ssyncset.done $0x0  }
.Ltmp0:
0x6b: {  	s4 =	sadd.s32 $0x1950, s4;
	[sflag:s19] =	ssyncadd.s32 $0xFFFFB000;
	(pc) =	sbr.rel @p1 .LBB2_2-.Ltmp0, $4  }
0x6c: {  	[tilespmem:s25], [sflag:$0x4] =	stream.indirect.gather [spmem:s1], $0x20, s4, s17, $0xb8;
	[tilespmem:$0x1ABD0] =	vst v63  }
0x6d: {  	_ =	swait.ge [sflag:s26], $0x5000  }
0x6e: {  	[sflag:s26] =	ssyncset.done $0x0  }
0x6f: {  	s3 =	sadd.s32 s3, s12;
	[sflag:s26] =	ssyncadd.s32 $0xFFFFB000  }
0x70: {  	[hbm4b:s3+s2] =	stream.linear.scatter [tilespmem:s20], [sflag:$0x6], $0x5000, $0x38;
	[tilespmem:$0x1ABD0] =	vst v63  }
0x71: {  	_ =	swait.ge [sflag:s29], $0x5000  }
0x72: {  	[sflag:s29] =	ssyncset.done $0x0  }
0x73: {  	[sflag:s29] =	ssyncadd.s32 $0xFFFFB000  }
0x74: {  	[hbm4b:s7+s2] =	stream.linear.scatter [tilespmem:s22], [sflag:$0x7], $0x5000, $0x38;
	[tilespmem:$0x1ABD0] =	vst v63  }
0x75: {  	_ =	swait.ge [sflag:s31], $0x5000  }
0x76: {  	[sflag:s31] =	ssyncset.done $0x0  }
0x77: {  	[sflag:s31] =	ssyncadd.s32 $0xFFFFB000  }
0x78: {  	[hbm4b:s8+s2] =	stream.linear.scatter [tilespmem:s25], [sflag:$0x8], $0x5000, $0x38;
	[tilespmem:$0x1ABD0] =	vst v63  }
0x79: {  	_ =	swait.ge [sflag:s28], $0x5000  }
0x7a: {  	[sflag:s28] =	ssyncset.done $0x0  }
0x7b: {  	[sflag:s28] =	ssyncadd.s32 $0xFFFFB000  }
0x7c: {  	_ =	swait.ge [sflag:s30], $0x5000  }
0x7d: {  	[sflag:s30] =	ssyncset.done $0x0  }
0x7e: {  	s21 =	sadd.s32 $0x1, s21;
	[sflag:s30] =	ssyncadd.s32 $0xFFFFB000  }
0x7f: {  	p1 =	sne.s32 s21, s9;
	_ =	swait.ge [sflag:s0], $0x5000  }
.Ltmp1:
0x80: {  	[sflag:s0] =	ssyncset.done $0x0;
	(pc) =	sbr.rel @p1 .LBB2_1-.Ltmp1, $4  }
0x81: {  	[sflag:s0] =	ssyncadd.s32 $0xFFFFB000  }
0x82: {  	_ =	swait.ge [sflag:s19], $0x5000  }
0x83: {  	[sflag:s19] =	ssyncset.done $0x0  }
0x84: {  	[sflag:s19] =	ssyncadd.s32 $0xFFFFB000  }
0x85: {  	_ =	sfence.sel $0x180000  }
0x86: {  	[bflag:$0x0] =	sbarrier.arrive $0xFFFF  }
0x87: {  	_ =	strace $0x90000047  }
0x88: {  	[bflag:$0x2] =	sbarrier.arrive $0xFFFF  }
0x89: {  	s0 =	rddreg [dreg:$0x3]  }
0x8a: {  	s0 =	sadd.s32 @!p0 $0x100000, s0  }
0x8b: {  	[sflag:s0] =	ssyncadd.tile.s32 @!p0 $0x1;
	_ =	shalt  }
.Lfunc_end2:
_tile_overlayer_lowered:
.L_overlay_start_2:
0x8c: {  	(tag) =	ssettag $0x2  }
0x8d: {  	s0 =	rddreg [dreg:$0x0];
	s2 =	stileid.u32  }
0x8e: {  	s1 =	rddreg [dreg:$0x1];
	p0 =	sne.s32 s2, $0x0  }
0x8f: {  	s3 =	rddreg [dreg:$0x2];
	[bflag:$0x3] =	sbarrier.arrive $0xFFFF;
	s2 =	simm.s32 @!p0 $0x1C09  }
0x90: {  	[timem:s3], [sflag:s2] =	dma.local @!p0 [hbm:s0], s1  }
0x91: {  	s0 =	simm.s32 @!p0 $0x9  }
0x92: {  	_ =	swait.ge @!p0 [sflag:s0], s1  }
0x93: {  	s1 =	ssub.s32 @!p0 $0x0, s1;
	[sflag:s0] =	ssyncset.done @!p0 $0x0  }
0x94: {  	[sflag:s0] =	ssyncadd.s32 @!p0 s1  }
0x95: {  	[bflag:$0x3] =	sbarrier.arrive $0xFFFF  }
0x96: {  	_ =	shalt  }

// kernel: sparse-core-data-format-call.cloned.1.call-start
scs
called_computation_lowered:
.L_overlay_start_0:
0x0: {  	s2 =	sld [smem:$0x3FD9]  }
0x1: {  	s3 =	sld [smem:$0x3FFE];
	_ =	sdelay $0x1  }
0x2: {  	s1 =	srdreg.scid  }
0x3: {  	s0 =	sand.u32 $0x1, s1  }
0x4: {  	s18 =	sshll.u32 s0, $0xA;
	s2 =	sadd.s32 s3, s2  }
0x5: {  	s2 =	sadd.s32 s2, s18  }
0x6: {  	[smem:$0x3FC6] =	sst s2  }
0x7: {  	_ = 	snop  }
0x8: {  	s2 =	sld [smem:$0x3FD0];
	(tm) =	ssettm $0x1  }
0x9: {  	s19 =	sld [smem:$0x3FFB];
	_ =	sdelay $0x3  }
0xa: {  	_ =	strace s19  }
0xb: {  	s3 =	sld [smem:$0x3FFC];
	_ =	sdelay $0x3  }
0xc: {  	_ =	strace s3  }
0xd: {  	s3 =	sld [smem:$0x3FFD];
	_ =	sdelay $0x3  }
0xe: {  	_ =	strace s3  }
0xf: {  	_ =	strace $0x8FFFFFFF  }
0x10: {  	s20 =	sld [smem:$0x3FDB];
	_ =	sdelay $0x1  }
0x11: {  	s4 =	simm.s32 $_scs_section_size  }
0x12: {  	s5 =	simm.s32 $_size__tile_overlayer_lowered;
	s6 =	simm.s32 $_tile_overlayer_lowered  }
0x13: {  	s23 =	simm.s32 $0x1BFF;
	s22 =	sshll.u32 s6, $0x1;
	s3 =	sadd.s32 s4, s20  }
0x14: {  	s7 =	simm.s32 $0x0;
	s21 =	sshll.u32 s5, $0x1;
	s5 =	sadd.s32 s22, s3  }
0x15: {  	[timem:s7], [sflag:s23] =	dma.local [hbm:s5], s21  }
0x16: {  	_ =	swait.ge [sflag:s23], s21  }
0x17: {  	s4 =	ssub.s32 $0x0, s21;
	[sflag:s23] =	ssyncset.done $0x0  }
0x18: {  	[sflag:s23] =	ssyncadd.s32 s4;
	_ =	sdelay $0x1  }
0x19: {  	s24 =	simm.s32 $0x1B8B  }
0x1a: {  	_ =	swait.ge [sflag:s24], $0x1  }
0x1b: {  	[sflag:s24] =	ssyncset.done $0x0  }
0x1c: {  	s26 =	simm.s32 $0x1B8E;
	s25 =	sld [smem:$0x3FFE];
	[sflag:s24] =	ssyncadd.s32 $0xFFFFFFFF  }
0x1d: {  	s27 =	simm.s32 $execute0_lowered;
	[smem:$0x3FD2] =	sst s26  }
0x1e: {  	s5 =	sshll.u32 s27, $0x1;
	_ =	strace $0x80000049;
	[dreg:$0x1] =	wrdreg $0xFFFFFFFF  }
0x1f: {  	s28 =	simm.s32 $_size_execute0_lowered;
	s3 =	sadd.s32 s3, s5;
	[dreg:$0x0] =	wrdreg $0x0  }
0x20: {  	s5 =	sshll.u32 s28, $0x1;
	[dreg:$0x2] =	wrdreg s3  }
0x21: {  	[dreg:$0x3] =	wrdreg s5  }
0x22: {  	[dreg:$0x4] =	wrdreg $0xC0  }
0x23: {  	_ =	task [dreg:s7], $0x5FFFF  }
0x24: {  	[dreg:$0x1] =	wrdreg $0xFFFFFFFF  }
0x25: {  	[dreg:$0x0] =	wrdreg $0x60  }
0x26: {  	[dreg:$0x2] =	wrdreg s25  }
0x27: {  	[dreg:$0x3] =	wrdreg s2  }
0x28: {  	[dreg:$0x4] =	wrdreg $0x9  }
0x29: {  	_ =	task.clear_ibuf [dreg:s7], $0x5FFFF;
	_ =	strace $0x90000049  }
0x2a: {  	s29 =	simm.s32 $0x9;
	_ =	strace $0x8000004B  }
0x2b: {  	_ =	swait.ge [sflag:s29], $0x1  }
0x2c: {  	[sflag:s29] =	ssyncadd.s32 $0xFFFFFFFF  }
0x2d: {  	_ =	strace $0x9000004B  }
0x2e: {  	_ =	sfence  }
0x2f: {  	s30 =	sld [smem:$0x0];
	_ =	sdelay $0x2  }
0x30: {  	s31 =	sshll.u32 s1, $0xD;
	s1 =	sshrl.u32 s1, $0x2  }
0x31: {  	s3 =	sand.u32 $0x4000, s31;
	s1 =	sadd.s32 s1, s30  }
0x32: {  	s0 =	sor.u32 s3, s0;
	s1 =	sshll.u32 s1, $0x11  }
0x33: {  	s0 =	sor.u32 s1, s0  }
0x34: {  	s0 =	sadd.s32 $0x8F2B, s0  }
0x35: {  	[sflag:s0] =	ssyncadd.remote.s32 $0x1  }
0x36: {  	_ =	sfence.sel $0xFFFF  }
0x37: {  	[dreg:$0x0] =	wrdreg $0xFFFFFFFF;
	(pc) =	sbr.abs _section_cstart, $3  }
0x38: {  	[dreg:$0x1] =	wrdreg $0xFFFFFFFF  }
0x39: {  	_ =	task.clear_ibuf [dreg:s7], $0x2FFFF;
	_ =	strace $0x9FFFFFFF  }
0x3a: {  	(tm) =	ssettm $0x7FFFFFFF  }
0x3b: {  	_ =	shalt  }
tec
execute0_lowered:
.L_overlay_start_1:
0x0: {  	(tag) =	ssettag $0x1  }
0x1: {  	s0 =	srdreg.scid  }
0x2: {  	s1 =	sshll.u32 s0, $0x4  }
0x3: {  	s0 =	stileid.u32;
	s1 =	sand.u32 $0x10, s1  }
0x4: {  	s1 =	sor.u32 s0, s1  }
0x5: {  	s6 =	rddreg [dreg:$0x0];
	s4 =	simm.s32 $0x1;
	s2 =	sshll.u32 s1, $0x7  }
0x6: {  	s7 =	simm.s32 $0x2;
	s12 =	simm.s32 $0x0;
	s1 =	ssub.s32 $0x1000, s2  }
0x7: {  	s8 =	simm.s32 $0x8000;
	s13 =	simm.s32 $0x0;
	s3 =	sand.u32 $0xF80, s1  }
0x8: {  	s9 =	simm.s32 $0x0;
	s5 =	sshrl.u32 s1, $0xC;
	p0 =	sne.s32 s3, $0x0  }
.Ltmp0:
0x9: {  	s1 =	rddreg [dreg:$0x2];
	s4 =	simm.s32 @!p0 $0x0;
	(pc) =	sbr.rel .LBB1_1-.Ltmp0, $4  }
0xa: {  	s11 =	simm.s32 $0x0;
	s3 =	rddreg [dreg:$0x1];
	s5 =	sadd.s32 s4, s5  }
0xb: {  	_ =	strace $0x8000004A;
	s4 =	simm.s32 $0x1;
	s5 =	smul.u32 $0xC8, s5  }
0xc: {  	s6 =	sadd.s32 $0x800, s6;
	s10 =	smov.u32 s2;
	[sflag:s4] =	ssyncpa.u1 $0x0  }
0xd: {  	p0 =	por $0x0, $0x0;
	[sflag:s7] =	ssyncpa.u1 $0x0;
	s7 =	sor.u32 $0x1, s5  }
.LBB1_4:
0xe: {  	s16 =	sshll.u32 s13, $0x3;
	s17 =	sand.u32 $0x78, s13  }
0xf: {  	s30 =	sand.u32 $0x3E00, s13;
	s12 =	sshll.u32 s12, $0xE;
	s16 =	sand.u32 $0xC00, s16  }
0x10: {  	s31 =	sand.u32 $0x7, s13;
	s16 =	sor.u32 s17, s16;
	s17 =	sadd.s32 s3, s30  }
0x11: {  	s13 =	sshll.u32 s31, $0x12;
	s16 =	sshrl.u32 s16, $0x3;
	s12 =	sadd.s32 s12, s17  }
0x12: {  	[tilespmem:s15+$0x0 ss:$0x81] =	vst.msk $0xffff, v0;
	s13 =	sor.u32 $0x400, s13;
	s12 =	sadd.s32 s16, s12  }
0x13: {  	[hbm4b:s12+s13] =	stream.strided.scatter [tilespmem:s14], [sflag:$0x2], $0x1000, s8, s13, $0x20;
	[tilespmem:$0x4040] =	vst v63  }
.LBB1_5:
0x14: {  	s14 =	sadd.s32 $0x1, s9  }
0x15: {  	s12 =	sadd.s32 $0x1000, s10;
	s16 =	smov.u32 s10;
	p2 =	sgt.s32 s14, $0xC7  }
0x16: {  	s16 =	smov.u32 @p2 s12  }
0x17: {  	s14 =	simm.s32 @p2 $0x0;
	p2 =	sgt.s32 s16, $0xFFF  }
0x18: {  	s16 =	smov.u32 @p2 s2;
	p2 =	sne.s32 s11, s7  }
.Ltmp1:
0x19: {  	p1 =	slt.u32 s11, $0x2;
	(pc) =	sbr.rel @!p2 .LBB1_6-.Ltmp1, $4  }
0x1a: {  	s15 =	simm.s32 @!p1 $0x2  }
0x1b: {  	s13 =	smov.u32 s10;
	p0 =	por !p0, !p0;
	_ =	swait.ge @!p1 [sflag:s15], $0x1000  }
0x1c: {  	s12 =	smov.u32 s9;
	[sflag:s15] =	ssyncset.done @!p1 $0x0;
	s9 =	smov.u32 s14  }
0x1d: {  	s11 =	sadd.s32 $0x1, s11;
	[sflag:s15] =	ssyncadd.s32 @!p1 $0xFFFFF000;
	s10 =	smov.u32 s16  }
.LBB1_1:
0x1e: {  	p1 =	sge.u32 s11, s5  }
0x1f: {  	s14 =	sand.u32 @!p1 $0x1FFFFFF, s9  }
0x20: {  	s15 =	smulhi.u32 @!p1 $0x147AE15, s14;
	_ =	sdelay $0x1  }
0x21: {  	s15 =	smul.u32 @!p1 $0xC8, s15  }
0x22: {  	s16 =	sxor.u32 @!p1 $0xFFFFFFFF, s11;
	s17 =	smul.u32 @!p1 $0xC80, s10  }
0x23: {  	s31 =	sadd.s32 $0xFFFFFFFF, s11;
	s16 =	sshll.u32 @!p1 s16, $0xC;
	s14 =	ssub.s32 @!p1 s14, s15  }
0x24: {  	s15 =	sand.u32 @!p1 $0x1000, s16;
	s16 =	sadd.s32 @!p1 s6, s17;
	s14 =	sshll.u32 @!p1 s14, $0x4  }
0x25: {  	s17 =	simm.s32 @!p1 $0x6400;
	s14 =	sadd.s32 @!p1 s14, s16;
	s16 =	simm.s32 @!p1 $0x20  }
0x26: {  	[tilespmem:s15], [sflag:$0x1] =	stream.strided.gather @!p1 [hbm4b:s14+s16], $0x1000, s17, s16, $0x38;
	[tilespmem:$0x4040] =	vst v63  }
0x27: {  	p1 =	sge.u32 s31, s5  }
.Ltmp2:
0x28: {  	_ = 	snop;
	(pc) =	sbr.rel @p1 .LBB1_5-.Ltmp2, $1  }
0x29: {  	_ =	sdelay $0x3  }
0x2a: {  	s14 =	simm.s32 $0x1  }
0x2b: {  	_ =	swait.ge [sflag:s4], $0x1000;
	s14 =	simm.s32 @!p0 $0x0  }
0x2c: {  	[sflag:s4] =	ssyncset.done $0x0;
	s15 =	sshll.u32 s14, $0xC  }
0x2d: {  	[sflag:s4] =	ssyncadd.s32 $0xFFFFF000;
	s18 =	sor.u32 $0x10, s15  }
0x2e: {  	s14 =	smul.u32 $0x4080, s14;
	v1 =	vld [tilespmem:s18+$0x0]  }
0x2f: {  	s30 =	sand.u32 $0x1, s11;
	v0 =	vld [tilespmem:s18+$0xFFFFFFF0]  }
0x30: {  	s15 =	smul.u32 $0x4080, s30;
	s14 =	sshrl.u32 s14, $0x2  }
0x31: {  	s16 =	sor.u32 $0x2000, s14  }
0x32: {  	s31 =	sshrl.u32 s15, $0x2;
	s15 =	sadd.s32 $0x0, s16  }
0x33: {  	s17 =	simm.s32 $0x4;
	s18 =	sadd.s32 $0x20, s18;
	s14 =	sor.u32 $0x2000, s31;
	[tilespmem:s15+$0x810 ss:$0x81] =	vst.msk $0xffff, v1  }
.LBB1_3:
0x34: {  	v1 =	vld [tilespmem:s18+$0x0];
	p1 =	sne.s32 s17, $0x1FC;
	[tilespmem:s15+$0x0 ss:$0x81] =	vst.msk $0xffff, v0;
	s15 =	smov.u32 s17;
	s17 =	sadd.s32 $0x4, s17  }
.Ltmp3:
0x35: {  	v0 =	vld [tilespmem:s18+$0xFFFFFFF0];
	(pc) =	sbr.rel @p1 .LBB1_3-.Ltmp3, $4  }
0x36: {  	_ = 	snop  }
0x37: {  	s15 =	sshra.s32 s15, $0x2  }
0x38: {  	s15 =	sadd.s32 s15, s16  }
0x39: {  	s18 =	sadd.s32 $0x20, s18;
	[tilespmem:s15+$0x810 ss:$0x81] =	vst.msk $0xffff, v1  }
.Ltmp4:
0x3a: {  	_ = 	snop;
	(pc) =	sbr.rel .LBB1_4-.Ltmp4, $1  }
0x3b: {  	_ =	sdelay $0x3  }
.LBB1_6:
0x3c: {  	_ =	sfence.sel $0x180000  }
0x3d: {  	s2 =	simm.s32 $0x1;
	[bflag:$0x0] =	sbarrier.arrive $0xFFFF  }
0x3e: {  	s31 =	simm.s32 $0x2;
	[sflag:s2] =	ssyncpa.u1 $0x1  }
0x3f: {  	[sflag:s31] =	ssyncpa.u1 $0x1  }
0x40: {  	p0 =	sne.s32 s0, $0x0;
	_ =	strace $0x9000004A  }
0x41: {  	s0 =	sadd.s32 @!p0 $0x100000, s1;
	[bflag:$0x2] =	sbarrier.arrive $0xFFFF  }
0x42: {  	[sflag:s0] =	ssyncadd.tile.s32 @!p0 $0x1;
	_ =	shalt  }
.Lfunc_end1:
_tile_overlayer_lowered:
.L_overlay_start_2:
0x43: {  	(tag) =	ssettag $0x2  }
0x44: {  	s0 =	rddreg [dreg:$0x0];
	s2 =	stileid.u32  }
0x45: {  	s1 =	rddreg [dreg:$0x1];
	p0 =	sne.s32 s2, $0x0  }
0x46: {  	s3 =	rddreg [dreg:$0x2];
	[bflag:$0x3] =	sbarrier.arrive $0xFFFF;
	s2 =	simm.s32 @!p0 $0x1C01  }
0x47: {  	[timem:s3], [sflag:s2] =	dma.local @!p0 [hbm:s0], s1  }
0x48: {  	s0 =	simm.s32 @!p0 $0x1  }
0x49: {  	_ =	swait.ge @!p0 [sflag:s0], s1  }
0x4a: {  	s1 =	ssub.s32 @!p0 $0x0, s1;
	[sflag:s0] =	ssyncset.done @!p0 $0x0  }
0x4b: {  	[sflag:s0] =	ssyncadd.s32 @!p0 s1  }
0x4c: {  	[bflag:$0x3] =	sbarrier.arrive $0xFFFF  }
0x4d: {  	_ =	shalt  }

</sc_bundles>
